<compile_context>
chip_gen: v7x
topology: tpu7x:2x2x1
jax: 0.10.2.dev20260603
libtpu: 0.0.44.dev20260713+nightly
codegen_flags: <defaults>
</compile_context>

<pallas_src>
import jax
import jax.numpy as jnp
from jax import lax
from jax.experimental import pallas as pl
from jax.experimental.pallas import tpu as pltpu
from jax.experimental.pallas import tpu_sc as plsc

N, C, D = 4096, 200, 128
B = N * C
NUM_CORES, NUM_SUBCORES = 2, 16
NW = NUM_CORES * NUM_SUBCORES
PER_W = B // NW
T = 128
CHUNKS = PER_W // T
NBUF = 4
TB = 4096


def _gather_body(gene_hbm, wg_hbm, out_hbm, gidx, grows, isem, gsem, osem):
    cid = lax.axis_index("c")
    sid = lax.axis_index("s")
    wid = sid * NUM_CORES + cid
    base_w = wid * PER_W
    grow_w = wid * CHUNKS

    def issue_inputs(k, r):
        pltpu.async_copy(gene_hbm.at[pl.ds(grow_w + k, 1)], gidx.at[r],
                         isem.at[r])

    def wait_inputs(r):
        pltpu.make_async_copy(gene_hbm.at[pl.ds(0, 1)], gidx.at[r],
                              isem.at[r]).wait()

    def issue_gather(r):
        pltpu.async_copy(wg_hbm.at[gidx.at[r, 0]], grows.at[r], gsem.at[r])

    def wait_gather(r):
        pltpu.make_async_copy(wg_hbm.at[pl.ds(0, T)], grows.at[r],
                              gsem.at[r]).wait()

    def issue_out(k, r):
        pltpu.async_copy(grows.at[r], out_hbm.at[pl.ds(base_w + k * T, T)],
                         osem.at[r])

    def wait_out(r):
        pltpu.make_async_copy(grows.at[r], out_hbm.at[pl.ds(0, T)],
                              osem.at[r]).wait()

    issue_inputs(0, 0)
    issue_inputs(1, 1)
    wait_inputs(0)
    issue_gather(0)

    def step(kk, carry):
        for b in range(NBUF):
            k = kk * NBUF + b
            rn = (b + 1) % NBUF

            @pl.when(k + 1 < CHUNKS)
            def _():
                wait_inputs(rn)
                @pl.when(k >= 3)
                def _():
                    wait_out(rn)
                issue_gather(rn)

            wait_gather(b)

            @pl.when(k + 2 < CHUNKS)
            def _():
                issue_inputs(k + 2, (b + 2) % NBUF)

            issue_out(k, b)
        return carry

    lax.fori_loop(0, CHUNKS // NBUF, step, 0)
    for r in range(NBUF):
        wait_out(r)


def _combine_body(g_ref, s_ref, tbl_ref, one_ref, out_ref):
    mod2 = s_ref[0, pl.ds(0, 1), :]
    tt2 = s_ref[0, pl.ds(1, 1), :]
    e2 = lax.bitcast_convert_type(s_ref[0, pl.ds(2, 1), :], jnp.float32)
    m1 = ((tt2 >> 1) & 1).astype(jnp.float32)
    e2v = e2 * ((tt2 >> 2) & 1).astype(jnp.float32)
    rows = lax.broadcasted_iota(jnp.int32, (32, TB), 0)
    a = jnp.where(rows == mod2, m1, 0.0)
    a = jnp.where(rows == 16, e2v, a)
    bias = lax.dot_general(a, tbl_ref[...],
                           (((0,), (0,)), ((), ())),
                           preferred_element_type=jnp.float32)
    m0 = (tt2 & 1).astype(jnp.float32)
    m0col = lax.dot_general(m0, one_ref[...],
                            (((0,), (0,)), ((), ())),
                            preferred_element_type=jnp.float32)
    out_ref[...] = g_ref[...] * m0col + bias


@jax.jit
def kernel(gene_id, modality, expression, token_type_nc, W_gene, W_modality,
           w_expr):
    gene2d = gene_id.reshape(B // T, T).astype(jnp.int32)

    gather = pl.kernel(
        _gather_body,
        out_type=jax.ShapeDtypeStruct((B, D), jnp.float32),
        mesh=plsc.VectorSubcoreMesh(core_axis_name="c", subcore_axis_name="s",
                                    num_cores=NUM_CORES,
                                    num_subcores=NUM_SUBCORES),
        scratch_types=[
            pltpu.VMEM((NBUF, 1, T), jnp.int32),
            pltpu.VMEM((NBUF, T, 128), jnp.float32),
            pltpu.SemaphoreType.DMA((NBUF,)),
            pltpu.SemaphoreType.DMA((NBUF,)),
            pltpu.SemaphoreType.DMA((NBUF,)),
        ],
    )
    grows = gather(gene2d, W_gene)

    mod = modality.reshape(B).astype(jnp.int32)
    tt = token_type_nc.reshape(B).astype(jnp.int32)
    ebits = lax.bitcast_convert_type(expression.reshape(B), jnp.int32)
    sc3 = jnp.stack([mod, tt, ebits], axis=0)
    sc3 = sc3.reshape(3, B // TB, TB).transpose(1, 0, 2)

    tbl = jnp.zeros((32, D), jnp.float32)
    tbl = tbl.at[0:8].set(W_modality).at[16].set(w_expr)
    one = jnp.ones((1, 1), jnp.float32)

    out = pl.pallas_call(
        _combine_body,
        grid=(B // TB,),
        in_specs=[
            pl.BlockSpec((TB, D), lambda i: (i, 0)),
            pl.BlockSpec((1, 3, TB), lambda i: (i, 0, 0)),
            pl.BlockSpec((32, D), lambda i: (0, 0)),
            pl.BlockSpec((1, 1), lambda i: (0, 0)),
        ],
        out_specs=pl.BlockSpec((TB, D), lambda i: (i, 0)),
        out_shape=jax.ShapeDtypeStruct((B, D), jnp.float32),
    )(grows, sc3, tbl, one)
    return out.reshape(N, C, D)

# --- scband reference (transcript-rebuilt; emitter-appended) ---
"""Pipeline reference for scband-token-embedding-14611478741711 (READ-ONLY COPY).

The authoritative reference and input builder live on the scoring server;
editing this copy changes nothing except your own understanding.
"""

import jax, jax.numpy as jnp
import numpy as np

N, C, D = 4096, 200, 128
VOCAB_GENE, VOCAB_MOD = 100000, 8


def setup_inputs(seed: int = 0) -> dict:
    key = jax.random.key(seed)
    k1, k2, k3, k4, k5, k6, k7 = jax.random.split(key, 7)
    return {
        "gene_id": jax.random.randint(k1, (N, C), 0, VOCAB_GENE, dtype=jnp.int64 if jax.config.jax_enable_x64 else jnp.int32),
        "modality": jax.random.randint(k2, (N, C), 0, VOCAB_MOD, dtype=jnp.int64 if jax.config.jax_enable_x64 else jnp.int32),
        "expression": jax.random.uniform(k3, (N, C), dtype=jnp.float32),
        "token_type_nc": jax.random.randint(k4, (N, C), 0, 8, dtype=jnp.int64 if jax.config.jax_enable_x64 else jnp.int32),
        "W_gene": jax.random.normal(k5, (VOCAB_GENE, D), dtype=jnp.float32) * 0.02,
        "W_modality": jax.random.normal(k6, (VOCAB_MOD, D), dtype=jnp.float32) * 0.02,
        "w_expr": jax.random.normal(k7, (D,), dtype=jnp.float32) * 0.02,
    }


def reference(gene_id, modality, expression, token_type_nc, W_gene, W_modality, w_expr):
    # Token order defines the bit index i: gene_id -> bit 0, modality -> bit 1, expression -> bit 2.
    m0 = ((token_type_nc >> 0) & 1)[..., None].astype(jnp.float32)
    m1 = ((token_type_nc >> 1) & 1)[..., None].astype(jnp.float32)
    m2 = ((token_type_nc >> 2) & 1)[..., None].astype(jnp.float32)
    # nn.Embedding -> row gather
    out = jnp.take(W_gene, gene_id, axis=0) * m0
    out = out + jnp.take(W_modality, modality, axis=0) * m1
    # nn.Linear(1, d, bias=False) on x.unsqueeze(-1): x[..., None] * weight[:, 0]
    out = out + (expression[..., None] * w_expr[None, None, :]) * m2
    return out

if __name__ == "__main__":
    import jax
    _d = setup_inputs()
    print(jax.jit(kernel)(*tuple(_d.values())))

</pallas_src>

<mosaic_0001>
#map = affine_map<(d0, d1) -> (0, 0)>
module attributes {stable_mosaic.version = 14 : i64} {
  func.func @_gather_body(%arg0: i32, %arg1: i32, %arg2: memref<6400x128xi32, #tpu.memory_space<hbm>>, %arg3: memref<100000x128xf32, #tpu.memory_space<hbm>>, %arg4: memref<819200x128xf32, #tpu.memory_space<hbm>>, %arg5: memref<4x1x128xi32, #tpu.memory_space<vmem>>, %arg6: memref<4x128x128xf32, #tpu.memory_space<vmem>>, %arg7: memref<4x!tpu.dma_semaphore, #tpu.memory_space<semaphore_mem>>, %arg8: memref<4x!tpu.dma_semaphore, #tpu.memory_space<semaphore_mem>>, %arg9: memref<4x!tpu.dma_semaphore, #tpu.memory_space<semaphore_mem>>) attributes {dimension_semantics = [#tpu.dimension_semantics<core_parallel>, #tpu.dimension_semantics<subcore_parallel>], iteration_bounds = array<i64: 2, 16>, scalar_prefetch = 0 : i64, scratch_operands = 5 : i64, tpu.core_type = #tpu.core_type<sc_vector_subcore>, window_params = [{transform_indices = #map}, {transform_indices = #map}, {transform_indices = #map}]} {
    %mul3A = arith.constant 2 : i32
    %mul3A_0 = arith.muli %arg1, %mul3A : i32
    %add3A = arith.addi %mul3A_0, %arg0 : i32
    %mul3A_1 = arith.constant 25600 : i32
    %mul3A_2 = arith.muli %add3A, %mul3A_1 : i32
    %mul3A_3 = arith.constant 200 : i32
    %mul3A_4 = arith.muli %add3A, %mul3A_3 : i32
    %add3A_5 = arith.constant 0 : i32
    %add3A_6 = arith.addi %mul3A_4, %add3A_5 : i32
    %dma_start3A = arith.constant 0 : i32
    %dma_start3A_7 = arith.constant 0 : i32
    %dma_start3A_8 = arith.constant 0 : i32
    %dma_start3A_9 = arith.constant 0 : i32
    %dma_start3A_10 = tpu.memref_slice %arg5[%dma_start3A, %dma_start3A_8, %dma_start3A_9] : memref<4x1x128xi32, #tpu.memory_space<vmem>> -> memref<1x1x128xi32, #tpu.memory_space<vmem>>
    %dma_start3A_11 = tpu.memref_squeeze %dma_start3A_10 : memref<1x1x128xi32, #tpu.memory_space<vmem>> -> memref<1x128xi32, #tpu.memory_space<vmem>>
    %dma_start3A_12 = arith.constant 0 : i32
    %dma_start3A_13 = tpu.memref_slice %arg2[%add3A_6, %dma_start3A_12] : memref<6400x128xi32, #tpu.memory_space<hbm>> -> memref<1x128xi32, #tpu.memory_space<hbm>>
    %dma_start3A_14 = tpu.memref_slice %arg7[%dma_start3A_7] : memref<4x!tpu.dma_semaphore, #tpu.memory_space<semaphore_mem>> -> memref<1x!tpu.dma_semaphore, #tpu.memory_space<semaphore_mem>>
    %dma_start3A_15 = tpu.memref_squeeze %dma_start3A_14 : memref<1x!tpu.dma_semaphore, #tpu.memory_space<semaphore_mem>> -> memref<!tpu.dma_semaphore, #tpu.memory_space<semaphore_mem>>
    %dma_start3A_16 = arith.constant 0 : i32
    %dma_start3A_17 = arith.constant 0 : i32
    %dma_start3A_18 = tpu.memref_slice %arg5[%dma_start3A, %dma_start3A_16, %dma_start3A_17] : memref<4x1x128xi32, #tpu.memory_space<vmem>> -> memref<1x1x128xi32, #tpu.memory_space<vmem>>
    %dma_start3A_19 = tpu.memref_squeeze %dma_start3A_18 : memref<1x1x128xi32, #tpu.memory_space<vmem>> -> memref<1x128xi32, #tpu.memory_space<vmem>>
    %dma_start3A_20 = arith.constant 0 : i32
    %dma_start3A_21 = tpu.memref_slice %arg2[%add3A_6, %dma_start3A_20] : memref<6400x128xi32, #tpu.memory_space<hbm>> -> memref<1x128xi32, #tpu.memory_space<hbm>>
    tpu.enqueue_dma source(%dma_start3A_21 : memref<1x128xi32, #tpu.memory_space<hbm>>) target(%dma_start3A_19 : memref<1x128xi32, #tpu.memory_space<vmem>>) target_semaphore(%dma_start3A_15 : memref<!tpu.dma_semaphore, #tpu.memory_space<semaphore_mem>>)
    %add3A_22 = arith.constant 1 : i32
    %add3A_23 = arith.addi %mul3A_4, %add3A_22 : i32
    %dma_start3A_24 = arith.constant 1 : i32
    %dma_start3A_25 = arith.constant 1 : i32
    %dma_start3A_26 = arith.constant 0 : i32
    %dma_start3A_27 = arith.constant 0 : i32
    %dma_start3A_28 = tpu.memref_slice %arg5[%dma_start3A_24, %dma_start3A_26, %dma_start3A_27] : memref<4x1x128xi32, #tpu.memory_space<vmem>> -> memref<1x1x128xi32, #tpu.memory_space<vmem>>
    %dma_start3A_29 = tpu.memref_squeeze %dma_start3A_28 : memref<1x1x128xi32, #tpu.memory_space<vmem>> -> memref<1x128xi32, #tpu.memory_space<vmem>>
    %dma_start3A_30 = arith.constant 0 : i32
    %dma_start3A_31 = tpu.memref_slice %arg2[%add3A_23, %dma_start3A_30] : memref<6400x128xi32, #tpu.memory_space<hbm>> -> memref<1x128xi32, #tpu.memory_space<hbm>>
    %dma_start3A_32 = tpu.memref_slice %arg7[%dma_start3A_25] : memref<4x!tpu.dma_semaphore, #tpu.memory_space<semaphore_mem>> -> memref<1x!tpu.dma_semaphore, #tpu.memory_space<semaphore_mem>>
    %dma_start3A_33 = tpu.memref_squeeze %dma_start3A_32 : memref<1x!tpu.dma_semaphore, #tpu.memory_space<semaphore_mem>> -> memref<!tpu.dma_semaphore, #tpu.memory_space<semaphore_mem>>
    %dma_start3A_34 = arith.constant 0 : i32
    %dma_start3A_35 = arith.constant 0 : i32
    %dma_start3A_36 = tpu.memref_slice %arg5[%dma_start3A_24, %dma_start3A_34, %dma_start3A_35] : memref<4x1x128xi32, #tpu.memory_space<vmem>> -> memref<1x1x128xi32, #tpu.memory_space<vmem>>
    %dma_start3A_37 = tpu.memref_squeeze %dma_start3A_36 : memref<1x1x128xi32, #tpu.memory_space<vmem>> -> memref<1x128xi32, #tpu.memory_space<vmem>>
    %dma_start3A_38 = arith.constant 0 : i32
    %dma_start3A_39 = tpu.memref_slice %arg2[%add3A_23, %dma_start3A_38] : memref<6400x128xi32, #tpu.memory_space<hbm>> -> memref<1x128xi32, #tpu.memory_space<hbm>>
    tpu.enqueue_dma source(%dma_start3A_39 : memref<1x128xi32, #tpu.memory_space<hbm>>) target(%dma_start3A_37 : memref<1x128xi32, #tpu.memory_space<vmem>>) target_semaphore(%dma_start3A_33 : memref<!tpu.dma_semaphore, #tpu.memory_space<semaphore_mem>>)
    %dma_wait3A = arith.constant 0 : i32
    %dma_wait3A_40 = arith.constant 0 : i32
    %dma_wait3A_41 = arith.constant 0 : i32
    %dma_wait3A_42 = arith.constant 0 : i32
    %dma_wait3A_43 = tpu.memref_slice %arg5[%dma_wait3A, %dma_wait3A_41, %dma_wait3A_42] : memref<4x1x128xi32, #tpu.memory_space<vmem>> -> memref<1x1x128xi32, #tpu.memory_space<vmem>>
    %dma_wait3A_44 = tpu.memref_squeeze %dma_wait3A_43 : memref<1x1x128xi32, #tpu.memory_space<vmem>> -> memref<1x128xi32, #tpu.memory_space<vmem>>
    %dma_wait3A_45 = arith.constant 0 : i32
    %dma_wait3A_46 = arith.constant 0 : i32
    %dma_wait3A_47 = tpu.memref_slice %arg2[%dma_wait3A_45, %dma_wait3A_46] : memref<6400x128xi32, #tpu.memory_space<hbm>> -> memref<1x128xi32, #tpu.memory_space<hbm>>
    %dma_wait3A_48 = tpu.memref_slice %arg7[%dma_wait3A_40] : memref<4x!tpu.dma_semaphore, #tpu.memory_space<semaphore_mem>> -> memref<1x!tpu.dma_semaphore, #tpu.memory_space<semaphore_mem>>
    %dma_wait3A_49 = tpu.memref_squeeze %dma_wait3A_48 : memref<1x!tpu.dma_semaphore, #tpu.memory_space<semaphore_mem>> -> memref<!tpu.dma_semaphore, #tpu.memory_space<semaphore_mem>>
    %dma_wait3A_50 = arith.constant 0 : i32
    %dma_wait3A_51 = arith.constant 0 : i32
    %dma_wait3A_52 = tpu.memref_slice %arg5[%dma_wait3A, %dma_wait3A_50, %dma_wait3A_51] : memref<4x1x128xi32, #tpu.memory_space<vmem>> -> memref<1x1x128xi32, #tpu.memory_space<vmem>>
    %dma_wait3A_53 = tpu.memref_squeeze %dma_wait3A_52 : memref<1x1x128xi32, #tpu.memory_space<vmem>> -> memref<1x128xi32, #tpu.memory_space<vmem>>
    %dma_wait3A_54 = arith.constant 0 : i32
    %dma_wait3A_55 = arith.constant 0 : i32
    %dma_wait3A_56 = tpu.memref_slice %arg2[%dma_wait3A_54, %dma_wait3A_55] : memref<6400x128xi32, #tpu.memory_space<hbm>> -> memref<1x128xi32, #tpu.memory_space<hbm>>
    tpu.wait_dma2 semaphore(%dma_wait3A_49 : memref<!tpu.dma_semaphore, #tpu.memory_space<semaphore_mem>>) src(%dma_wait3A_56 : memref<1x128xi32, #tpu.memory_space<hbm>>) dst(%dma_wait3A_53 : memref<1x128xi32, #tpu.memory_space<vmem>>)
    %dma_start3A_57 = arith.constant 0 : i32
    %dma_start3A_58 = arith.constant 0 : i32
    %dma_start3A_59 = arith.constant 0 : i32
    %dma_start3A_60 = arith.constant 0 : i32
    %dma_start3A_61 = arith.constant 0 : i32
    %dma_start3A_62 = arith.constant 0 : i32
    %dma_start3A_63 = tpu.memref_slice %arg6[%dma_start3A_59, %dma_start3A_61, %dma_start3A_62] : memref<4x128x128xf32, #tpu.memory_space<vmem>> -> memref<1x128x128xf32, #tpu.memory_space<vmem>>
    %dma_start3A_64 = tpu.memref_squeeze %dma_start3A_63 : memref<1x128x128xf32, #tpu.memory_space<vmem>> -> memref<128x128xf32, #tpu.memory_space<vmem>>
    %dma_start3A_65 = arith.constant 0 : i32
    %dma_start3A_66 = tpu.memref_slice %arg5[%dma_start3A_57, %dma_start3A_58, %dma_start3A_65] : memref<4x1x128xi32, #tpu.memory_space<vmem>> -> memref<1x1x128xi32, #tpu.memory_space<vmem>>
    %dma_start3A_67 = tpu.memref_squeeze %dma_start3A_66 : memref<1x1x128xi32, #tpu.memory_space<vmem>> -> memref<128xi32, #tpu.memory_space<vmem>>
    %dma_start3A_68 = arith.constant 0 : i32
    %dma_start3A_69 = arith.constant 0 : i32
    %dma_start3A_70 = tpu.memref_slice %arg3[%dma_start3A_68, %dma_start3A_69] : memref<100000x128xf32, #tpu.memory_space<hbm>> -> memref<100000x128xf32, #tpu.memory_space<hbm>>
    %dma_start3A_71 = tpu.memref_slice %arg8[%dma_start3A_60] : memref<4x!tpu.dma_semaphore, #tpu.memory_space<semaphore_mem>> -> memref<1x!tpu.dma_semaphore, #tpu.memory_space<semaphore_mem>>
    %dma_start3A_72 = tpu.memref_squeeze %dma_start3A_71 : memref<1x!tpu.dma_semaphore, #tpu.memory_space<semaphore_mem>> -> memref<!tpu.dma_semaphore, #tpu.memory_space<semaphore_mem>>
    tpu.enqueue_indirect_dma source(%dma_start3A_70 : memref<100000x128xf32, #tpu.memory_space<hbm>>) target(%dma_start3A_64 : memref<128x128xf32, #tpu.memory_space<vmem>>) offsets(%dma_start3A_67 : memref<128xi32, #tpu.memory_space<vmem>>) semaphore(%dma_start3A_72 : memref<!tpu.dma_semaphore, #tpu.memory_space<semaphore_mem>>)
    %scan3A = arith.constant 0 : i32
    %scan3A_73 = arith.constant 0 : i32
    %scan3A_74 = arith.constant 50 : i32
    %scan3A_75 = arith.addi %scan3A_73, %scan3A_74 : i32
    %scan3A_76 = arith.constant 1 : i32
    scf.for %scan3A_150 = %scan3A_73 to %scan3A_75 step %scan3A_76  : i32 {
      %mul3A_151 = arith.constant 4 : i32
      %mul3A_152 = arith.muli %scan3A_150, %mul3A_151 : i32
      %add3A_153 = arith.constant 0 : i32
      %add3A_154 = arith.addi %mul3A_152, %add3A_153 : i32
      %add3A_155 = arith.constant 1 : i32
      %add3A_156 = arith.addi %add3A_154, %add3A_155 : i32
      %lt3A = arith.constant 200 : i32
      %lt3A_157 = arith.cmpi slt, %add3A_156, %lt3A : i32
      %convert_element_type3A = arith.extui %lt3A_157 : i1 to i32
      %cond3A = arith.constant 0 : i32
      %cond3A_158 = arith.cmpi ne, %convert_element_type3A, %cond3A : i32
      scf.if %cond3A_158 {
        %dma_wait3A_368 = arith.constant 1 : i32
        %dma_wait3A_369 = arith.constant 1 : i32
        %dma_wait3A_370 = arith.constant 0 : i32
        %dma_wait3A_371 = arith.constant 0 : i32
        %dma_wait3A_372 = tpu.memref_slice %arg5[%dma_wait3A_368, %dma_wait3A_370, %dma_wait3A_371] : memref<4x1x128xi32, #tpu.memory_space<vmem>> -> memref<1x1x128xi32, #tpu.memory_space<vmem>>
        %dma_wait3A_373 = tpu.memref_squeeze %dma_wait3A_372 : memref<1x1x128xi32, #tpu.memory_space<vmem>> -> memref<1x128xi32, #tpu.memory_space<vmem>>
        %dma_wait3A_374 = arith.constant 0 : i32
        %dma_wait3A_375 = arith.constant 0 : i32
        %dma_wait3A_376 = tpu.memref_slice %arg2[%dma_wait3A_374, %dma_wait3A_375] : memref<6400x128xi32, #tpu.memory_space<hbm>> -> memref<1x128xi32, #tpu.memory_space<hbm>>
        %dma_wait3A_377 = tpu.memref_slice %arg7[%dma_wait3A_369] : memref<4x!tpu.dma_semaphore, #tpu.memory_space<semaphore_mem>> -> memref<1x!tpu.dma_semaphore, #tpu.memory_space<semaphore_mem>>
        %dma_wait3A_378 = tpu.memref_squeeze %dma_wait3A_377 : memref<1x!tpu.dma_semaphore, #tpu.memory_space<semaphore_mem>> -> memref<!tpu.dma_semaphore, #tpu.memory_space<semaphore_mem>>
        %dma_wait3A_379 = arith.constant 0 : i32
        %dma_wait3A_380 = arith.constant 0 : i32
        %dma_wait3A_381 = tpu.memref_slice %arg5[%dma_wait3A_368, %dma_wait3A_379, %dma_wait3A_380] : memref<4x1x128xi32, #tpu.memory_space<vmem>> -> memref<1x1x128xi32, #tpu.memory_space<vmem>>
        %dma_wait3A_382 = tpu.memref_squeeze %dma_wait3A_381 : memref<1x1x128xi32, #tpu.memory_space<vmem>> -> memref<1x128xi32, #tpu.memory_space<vmem>>
        %dma_wait3A_383 = arith.constant 0 : i32
        %dma_wait3A_384 = arith.constant 0 : i32
        %dma_wait3A_385 = tpu.memref_slice %arg2[%dma_wait3A_383, %dma_wait3A_384] : memref<6400x128xi32, #tpu.memory_space<hbm>> -> memref<1x128xi32, #tpu.memory_space<hbm>>
        tpu.wait_dma2 semaphore(%dma_wait3A_378 : memref<!tpu.dma_semaphore, #tpu.memory_space<semaphore_mem>>) src(%dma_wait3A_385 : memref<1x128xi32, #tpu.memory_space<hbm>>) dst(%dma_wait3A_382 : memref<1x128xi32, #tpu.memory_space<vmem>>)
        %ge3A = arith.constant 3 : i32
        %ge3A_386 = arith.cmpi sge, %add3A_154, %ge3A : i32
        %convert_element_type3A_387 = arith.extui %ge3A_386 : i1 to i32
        %cond3A_388 = arith.constant 0 : i32
        %cond3A_389 = arith.cmpi ne, %convert_element_type3A_387, %cond3A_388 : i32
        scf.if %cond3A_389 {
          %dma_wait3A_406 = arith.constant 1 : i32
          %dma_wait3A_407 = arith.constant 1 : i32
          %dma_wait3A_408 = arith.constant 0 : i32
          %dma_wait3A_409 = arith.constant 0 : i32
          %dma_wait3A_410 = tpu.memref_slice %arg6[%dma_wait3A_406, %dma_wait3A_408, %dma_wait3A_409] : memref<4x128x128xf32, #tpu.memory_space<vmem>> -> memref<1x128x128xf32, #tpu.memory_space<vmem>>
          %dma_wait3A_411 = tpu.memref_squeeze %dma_wait3A_410 : memref<1x128x128xf32, #tpu.memory_space<vmem>> -> memref<128x128xf32, #tpu.memory_space<vmem>>
          %dma_wait3A_412 = arith.constant 0 : i32
          %dma_wait3A_413 = arith.constant 0 : i32
          %dma_wait3A_414 = tpu.memref_slice %arg4[%dma_wait3A_412, %dma_wait3A_413] : memref<819200x128xf32, #tpu.memory_space<hbm>> -> memref<128x128xf32, #tpu.memory_space<hbm>>
          %dma_wait3A_415 = tpu.memref_slice %arg9[%dma_wait3A_407] : memref<4x!tpu.dma_semaphore, #tpu.memory_space<semaphore_mem>> -> memref<1x!tpu.dma_semaphore, #tpu.memory_space<semaphore_mem>>
          %dma_wait3A_416 = tpu.memref_squeeze %dma_wait3A_415 : memref<1x!tpu.dma_semaphore, #tpu.memory_space<semaphore_mem>> -> memref<!tpu.dma_semaphore, #tpu.memory_space<semaphore_mem>>
          %dma_wait3A_417 = arith.constant 0 : i32
          %dma_wait3A_418 = arith.constant 0 : i32
          %dma_wait3A_419 = tpu.memref_slice %arg4[%dma_wait3A_417, %dma_wait3A_418] : memref<819200x128xf32, #tpu.memory_space<hbm>> -> memref<128x128xf32, #tpu.memory_space<hbm>>
          %dma_wait3A_420 = arith.constant 0 : i32
          %dma_wait3A_421 = arith.constant 0 : i32
          %dma_wait3A_422 = tpu.memref_slice %arg6[%dma_wait3A_406, %dma_wait3A_420, %dma_wait3A_421] : memref<4x128x128xf32, #tpu.memory_space<vmem>> -> memref<1x128x128xf32, #tpu.memory_space<vmem>>
          %dma_wait3A_423 = tpu.memref_squeeze %dma_wait3A_422 : memref<1x128x128xf32, #tpu.memory_space<vmem>> -> memref<128x128xf32, #tpu.memory_space<vmem>>
          tpu.wait_dma2 semaphore(%dma_wait3A_416 : memref<!tpu.dma_semaphore, #tpu.memory_space<semaphore_mem>>) src(%dma_wait3A_423 : memref<128x128xf32, #tpu.memory_space<vmem>>) dst(%dma_wait3A_419 : memref<128x128xf32, #tpu.memory_space<hbm>>)
        } else {
        }
        %dma_start3A_390 = arith.constant 1 : i32
        %dma_start3A_391 = arith.constant 0 : i32
        %dma_start3A_392 = arith.constant 1 : i32
        %dma_start3A_393 = arith.constant 1 : i32
        %dma_start3A_394 = arith.constant 0 : i32
        %dma_start3A_395 = arith.constant 0 : i32
        %dma_start3A_396 = tpu.memref_slice %arg6[%dma_start3A_392, %dma_start3A_394, %dma_start3A_395] : memref<4x128x128xf32, #tpu.memory_space<vmem>> -> memref<1x128x128xf32, #tpu.memory_space<vmem>>
        %dma_start3A_397 = tpu.memref_squeeze %dma_start3A_396 : memref<1x128x128xf32, #tpu.memory_space<vmem>> -> memref<128x128xf32, #tpu.memory_space<vmem>>
        %dma_start3A_398 = arith.constant 0 : i32
        %dma_start3A_399 = tpu.memref_slice %arg5[%dma_start3A_390, %dma_start3A_391, %dma_start3A_398] : memref<4x1x128xi32, #tpu.memory_space<vmem>> -> memref<1x1x128xi32, #tpu.memory_space<vmem>>
        %dma_start3A_400 = tpu.memref_squeeze %dma_start3A_399 : memref<1x1x128xi32, #tpu.memory_space<vmem>> -> memref<128xi32, #tpu.memory_space<vmem>>
        %dma_start3A_401 = arith.constant 0 : i32
        %dma_start3A_402 = arith.constant 0 : i32
        %dma_start3A_403 = tpu.memref_slice %arg3[%dma_start3A_401, %dma_start3A_402] : memref<100000x128xf32, #tpu.memory_space<hbm>> -> memref<100000x128xf32, #tpu.memory_space<hbm>>
        %dma_start3A_404 = tpu.memref_slice %arg8[%dma_start3A_393] : memref<4x!tpu.dma_semaphore, #tpu.memory_space<semaphore_mem>> -> memref<1x!tpu.dma_semaphore, #tpu.memory_space<semaphore_mem>>
        %dma_start3A_405 = tpu.memref_squeeze %dma_start3A_404 : memref<1x!tpu.dma_semaphore, #tpu.memory_space<semaphore_mem>> -> memref<!tpu.dma_semaphore, #tpu.memory_space<semaphore_mem>>
        tpu.enqueue_indirect_dma source(%dma_start3A_403 : memref<100000x128xf32, #tpu.memory_space<hbm>>) target(%dma_start3A_397 : memref<128x128xf32, #tpu.memory_space<vmem>>) offsets(%dma_start3A_400 : memref<128xi32, #tpu.memory_space<vmem>>) semaphore(%dma_start3A_405 : memref<!tpu.dma_semaphore, #tpu.memory_space<semaphore_mem>>)
      } else {
      }
      %dma_wait3A_159 = arith.constant 0 : i32
      %dma_wait3A_160 = arith.constant 0 : i32
      %dma_wait3A_161 = arith.constant 0 : i32
      %dma_wait3A_162 = arith.constant 0 : i32
      %dma_wait3A_163 = tpu.memref_slice %arg6[%dma_wait3A_159, %dma_wait3A_161, %dma_wait3A_162] : memref<4x128x128xf32, #tpu.memory_space<vmem>> -> memref<1x128x128xf32, #tpu.memory_space<vmem>>
      %dma_wait3A_164 = tpu.memref_squeeze %dma_wait3A_163 : memref<1x128x128xf32, #tpu.memory_space<vmem>> -> memref<128x128xf32, #tpu.memory_space<vmem>>
      %dma_wait3A_165 = arith.constant 0 : i32
      %dma_wait3A_166 = arith.constant 0 : i32
      %dma_wait3A_167 = tpu.memref_slice %arg3[%dma_wait3A_165, %dma_wait3A_166] : memref<100000x128xf32, #tpu.memory_space<hbm>> -> memref<128x128xf32, #tpu.memory_space<hbm>>
      %dma_wait3A_168 = tpu.memref_slice %arg8[%dma_wait3A_160] : memref<4x!tpu.dma_semaphore, #tpu.memory_space<semaphore_mem>> -> memref<1x!tpu.dma_semaphore, #tpu.memory_space<semaphore_mem>>
      %dma_wait3A_169 = tpu.memref_squeeze %dma_wait3A_168 : memref<1x!tpu.dma_semaphore, #tpu.memory_space<semaphore_mem>> -> memref<!tpu.dma_semaphore, #tpu.memory_space<semaphore_mem>>
      %dma_wait3A_170 = arith.constant 0 : i32
      %dma_wait3A_171 = arith.constant 0 : i32
      %dma_wait3A_172 = tpu.memref_slice %arg6[%dma_wait3A_159, %dma_wait3A_170, %dma_wait3A_171] : memref<4x128x128xf32, #tpu.memory_space<vmem>> -> memref<1x128x128xf32, #tpu.memory_space<vmem>>
      %dma_wait3A_173 = tpu.memref_squeeze %dma_wait3A_172 : memref<1x128x128xf32, #tpu.memory_space<vmem>> -> memref<128x128xf32, #tpu.memory_space<vmem>>
      %dma_wait3A_174 = arith.constant 0 : i32
      %dma_wait3A_175 = arith.constant 0 : i32
      %dma_wait3A_176 = tpu.memref_slice %arg3[%dma_wait3A_174, %dma_wait3A_175] : memref<100000x128xf32, #tpu.memory_space<hbm>> -> memref<128x128xf32, #tpu.memory_space<hbm>>
      tpu.wait_dma2 semaphore(%dma_wait3A_169 : memref<!tpu.dma_semaphore, #tpu.memory_space<semaphore_mem>>) src(%dma_wait3A_176 : memref<128x128xf32, #tpu.memory_space<hbm>>) dst(%dma_wait3A_173 : memref<128x128xf32, #tpu.memory_space<vmem>>)
      %add3A_177 = arith.constant 2 : i32
      %add3A_178 = arith.addi %add3A_154, %add3A_177 : i32
      %lt3A_179 = arith.constant 200 : i32
      %lt3A_180 = arith.cmpi slt, %add3A_178, %lt3A_179 : i32
      %convert_element_type3A_181 = arith.extui %lt3A_180 : i1 to i32
      %cond3A_182 = arith.constant 0 : i32
      %cond3A_183 = arith.cmpi ne, %convert_element_type3A_181, %cond3A_182 : i32
      scf.if %cond3A_183 {
        %add3A_368 = arith.constant 2 : i32
        %add3A_369 = arith.addi %add3A_154, %add3A_368 : i32
        %add3A_370 = arith.addi %mul3A_4, %add3A_369 : i32
        %dma_start3A_371 = arith.constant 2 : i32
        %dma_start3A_372 = arith.constant 2 : i32
        %dma_start3A_373 = arith.constant 0 : i32
        %dma_start3A_374 = arith.constant 0 : i32
        %dma_start3A_375 = tpu.memref_slice %arg5[%dma_start3A_371, %dma_start3A_373, %dma_start3A_374] : memref<4x1x128xi32, #tpu.memory_space<vmem>> -> memref<1x1x128xi32, #tpu.memory_space<vmem>>
        %dma_start3A_376 = tpu.memref_squeeze %dma_start3A_375 : memref<1x1x128xi32, #tpu.memory_space<vmem>> -> memref<1x128xi32, #tpu.memory_space<vmem>>
        %dma_start3A_377 = arith.constant 0 : i32
        %dma_start3A_378 = tpu.memref_slice %arg2[%add3A_370, %dma_start3A_377] : memref<6400x128xi32, #tpu.memory_space<hbm>> -> memref<1x128xi32, #tpu.memory_space<hbm>>
        %dma_start3A_379 = tpu.memref_slice %arg7[%dma_start3A_372] : memref<4x!tpu.dma_semaphore, #tpu.memory_space<semaphore_mem>> -> memref<1x!tpu.dma_semaphore, #tpu.memory_space<semaphore_mem>>
        %dma_start3A_380 = tpu.memref_squeeze %dma_start3A_379 : memref<1x!tpu.dma_semaphore, #tpu.memory_space<semaphore_mem>> -> memref<!tpu.dma_semaphore, #tpu.memory_space<semaphore_mem>>
        %dma_start3A_381 = arith.constant 0 : i32
        %dma_start3A_382 = arith.constant 0 : i32
        %dma_start3A_383 = tpu.memref_slice %arg5[%dma_start3A_371, %dma_start3A_381, %dma_start3A_382] : memref<4x1x128xi32, #tpu.memory_space<vmem>> -> memref<1x1x128xi32, #tpu.memory_space<vmem>>
        %dma_start3A_384 = tpu.memref_squeeze %dma_start3A_383 : memref<1x1x128xi32, #tpu.memory_space<vmem>> -> memref<1x128xi32, #tpu.memory_space<vmem>>
        %dma_start3A_385 = arith.constant 0 : i32
        %dma_start3A_386 = tpu.memref_slice %arg2[%add3A_370, %dma_start3A_385] : memref<6400x128xi32, #tpu.memory_space<hbm>> -> memref<1x128xi32, #tpu.memory_space<hbm>>
        tpu.enqueue_dma source(%dma_start3A_386 : memref<1x128xi32, #tpu.memory_space<hbm>>) target(%dma_start3A_384 : memref<1x128xi32, #tpu.memory_space<vmem>>) target_semaphore(%dma_start3A_380 : memref<!tpu.dma_semaphore, #tpu.memory_space<semaphore_mem>>)
      } else {
      }
      %mul3A_184 = arith.constant 128 : i32
      %mul3A_185 = arith.muli %add3A_154, %mul3A_184 : i32
      %add3A_186 = arith.addi %mul3A_2, %mul3A_185 : i32
      %dma_start3A_187 = arith.constant 0 : i32
      %dma_start3A_188 = arith.constant 0 : i32
      %dma_start3A_189 = arith.constant 0 : i32
      %dma_start3A_190 = arith.constant 0 : i32
      %dma_start3A_191 = tpu.memref_slice %arg6[%dma_start3A_187, %dma_start3A_189, %dma_start3A_190] : memref<4x128x128xf32, #tpu.memory_space<vmem>> -> memref<1x128x128xf32, #tpu.memory_space<vmem>>
      %dma_start3A_192 = tpu.memref_squeeze %dma_start3A_191 : memref<1x128x128xf32, #tpu.memory_space<vmem>> -> memref<128x128xf32, #tpu.memory_space<vmem>>
      %dma_start3A_193 = arith.constant 0 : i32
      %dma_start3A_194 = tpu.memref_slice %arg4[%add3A_186, %dma_start3A_193] : memref<819200x128xf32, #tpu.memory_space<hbm>> -> memref<128x128xf32, #tpu.memory_space<hbm>>
      %dma_start3A_195 = tpu.memref_slice %arg9[%dma_start3A_188] : memref<4x!tpu.dma_semaphore, #tpu.memory_space<semaphore_mem>> -> memref<1x!tpu.dma_semaphore, #tpu.memory_space<semaphore_mem>>
      %dma_start3A_196 = tpu.memref_squeeze %dma_start3A_195 : memref<1x!tpu.dma_semaphore, #tpu.memory_space<semaphore_mem>> -> memref<!tpu.dma_semaphore, #tpu.memory_space<semaphore_mem>>
      %dma_start3A_197 = arith.constant 0 : i32
      %dma_start3A_198 = tpu.memref_slice %arg4[%add3A_186, %dma_start3A_197] : memref<819200x128xf32, #tpu.memory_space<hbm>> -> memref<128x128xf32, #tpu.memory_space<hbm>>
      %dma_start3A_199 = arith.constant 0 : i32
      %dma_start3A_200 = arith.constant 0 : i32
      %dma_start3A_201 = tpu.memref_slice %arg6[%dma_start3A_187, %dma_start3A_199, %dma_start3A_200] : memref<4x128x128xf32, #tpu.memory_space<vmem>> -> memref<1x128x128xf32, #tpu.memory_space<vmem>>
      %dma_start3A_202 = tpu.memref_squeeze %dma_start3A_201 : memref<1x128x128xf32, #tpu.memory_space<vmem>> -> memref<128x128xf32, #tpu.memory_space<vmem>>
      tpu.enqueue_dma source(%dma_start3A_202 : memref<128x128xf32, #tpu.memory_space<vmem>>) target(%dma_start3A_198 : memref<128x128xf32, #tpu.memory_space<hbm>>) target_semaphore(%dma_start3A_196 : memref<!tpu.dma_semaphore, #tpu.memory_space<semaphore_mem>>)
      %mul3A_203 = arith.constant 4 : i32
      %mul3A_204 = arith.muli %scan3A_150, %mul3A_203 : i32
      %add3A_205 = arith.constant 1 : i32
      %add3A_206 = arith.addi %mul3A_204, %add3A_205 : i32
      %add3A_207 = arith.constant 1 : i32
      %add3A_208 = arith.addi %add3A_206, %add3A_207 : i32
      %lt3A_209 = arith.constant 200 : i32
      %lt3A_210 = arith.cmpi slt, %add3A_208, %lt3A_209 : i32
      %convert_element_type3A_211 = arith.extui %lt3A_210 : i1 to i32
      %cond3A_212 = arith.constant 0 : i32
      %cond3A_213 = arith.cmpi ne, %convert_element_type3A_211, %cond3A_212 : i32
      scf.if %cond3A_213 {
        %dma_wait3A_368 = arith.constant 2 : i32
        %dma_wait3A_369 = arith.constant 2 : i32
        %dma_wait3A_370 = arith.constant 0 : i32
        %dma_wait3A_371 = arith.constant 0 : i32
        %dma_wait3A_372 = tpu.memref_slice %arg5[%dma_wait3A_368, %dma_wait3A_370, %dma_wait3A_371] : memref<4x1x128xi32, #tpu.memory_space<vmem>> -> memref<1x1x128xi32, #tpu.memory_space<vmem>>
        %dma_wait3A_373 = tpu.memref_squeeze %dma_wait3A_372 : memref<1x1x128xi32, #tpu.memory_space<vmem>> -> memref<1x128xi32, #tpu.memory_space<vmem>>
        %dma_wait3A_374 = arith.constant 0 : i32
        %dma_wait3A_375 = arith.constant 0 : i32
        %dma_wait3A_376 = tpu.memref_slice %arg2[%dma_wait3A_374, %dma_wait3A_375] : memref<6400x128xi32, #tpu.memory_space<hbm>> -> memref<1x128xi32, #tpu.memory_space<hbm>>
        %dma_wait3A_377 = tpu.memref_slice %arg7[%dma_wait3A_369] : memref<4x!tpu.dma_semaphore, #tpu.memory_space<semaphore_mem>> -> memref<1x!tpu.dma_semaphore, #tpu.memory_space<semaphore_mem>>
        %dma_wait3A_378 = tpu.memref_squeeze %dma_wait3A_377 : memref<1x!tpu.dma_semaphore, #tpu.memory_space<semaphore_mem>> -> memref<!tpu.dma_semaphore, #tpu.memory_space<semaphore_mem>>
        %dma_wait3A_379 = arith.constant 0 : i32
        %dma_wait3A_380 = arith.constant 0 : i32
        %dma_wait3A_381 = tpu.memref_slice %arg5[%dma_wait3A_368, %dma_wait3A_379, %dma_wait3A_380] : memref<4x1x128xi32, #tpu.memory_space<vmem>> -> memref<1x1x128xi32, #tpu.memory_space<vmem>>
        %dma_wait3A_382 = tpu.memref_squeeze %dma_wait3A_381 : memref<1x1x128xi32, #tpu.memory_space<vmem>> -> memref<1x128xi32, #tpu.memory_space<vmem>>
        %dma_wait3A_383 = arith.constant 0 : i32
        %dma_wait3A_384 = arith.constant 0 : i32
        %dma_wait3A_385 = tpu.memref_slice %arg2[%dma_wait3A_383, %dma_wait3A_384] : memref<6400x128xi32, #tpu.memory_space<hbm>> -> memref<1x128xi32, #tpu.memory_space<hbm>>
        tpu.wait_dma2 semaphore(%dma_wait3A_378 : memref<!tpu.dma_semaphore, #tpu.memory_space<semaphore_mem>>) src(%dma_wait3A_385 : memref<1x128xi32, #tpu.memory_space<hbm>>) dst(%dma_wait3A_382 : memref<1x128xi32, #tpu.memory_space<vmem>>)
        %ge3A = arith.constant 3 : i32
        %ge3A_386 = arith.cmpi sge, %add3A_206, %ge3A : i32
        %convert_element_type3A_387 = arith.extui %ge3A_386 : i1 to i32
        %cond3A_388 = arith.constant 0 : i32
        %cond3A_389 = arith.cmpi ne, %convert_element_type3A_387, %cond3A_388 : i32
        scf.if %cond3A_389 {
          %dma_wait3A_406 = arith.constant 2 : i32
          %dma_wait3A_407 = arith.constant 2 : i32
          %dma_wait3A_408 = arith.constant 0 : i32
          %dma_wait3A_409 = arith.constant 0 : i32
          %dma_wait3A_410 = tpu.memref_slice %arg6[%dma_wait3A_406, %dma_wait3A_408, %dma_wait3A_409] : memref<4x128x128xf32, #tpu.memory_space<vmem>> -> memref<1x128x128xf32, #tpu.memory_space<vmem>>
          %dma_wait3A_411 = tpu.memref_squeeze %dma_wait3A_410 : memref<1x128x128xf32, #tpu.memory_space<vmem>> -> memref<128x128xf32, #tpu.memory_space<vmem>>
          %dma_wait3A_412 = arith.constant 0 : i32
          %dma_wait3A_413 = arith.constant 0 : i32
          %dma_wait3A_414 = tpu.memref_slice %arg4[%dma_wait3A_412, %dma_wait3A_413] : memref<819200x128xf32, #tpu.memory_space<hbm>> -> memref<128x128xf32, #tpu.memory_space<hbm>>
          %dma_wait3A_415 = tpu.memref_slice %arg9[%dma_wait3A_407] : memref<4x!tpu.dma_semaphore, #tpu.memory_space<semaphore_mem>> -> memref<1x!tpu.dma_semaphore, #tpu.memory_space<semaphore_mem>>
          %dma_wait3A_416 = tpu.memref_squeeze %dma_wait3A_415 : memref<1x!tpu.dma_semaphore, #tpu.memory_space<semaphore_mem>> -> memref<!tpu.dma_semaphore, #tpu.memory_space<semaphore_mem>>
          %dma_wait3A_417 = arith.constant 0 : i32
          %dma_wait3A_418 = arith.constant 0 : i32
          %dma_wait3A_419 = tpu.memref_slice %arg4[%dma_wait3A_417, %dma_wait3A_418] : memref<819200x128xf32, #tpu.memory_space<hbm>> -> memref<128x128xf32, #tpu.memory_space<hbm>>
          %dma_wait3A_420 = arith.constant 0 : i32
          %dma_wait3A_421 = arith.constant 0 : i32
          %dma_wait3A_422 = tpu.memref_slice %arg6[%dma_wait3A_406, %dma_wait3A_420, %dma_wait3A_421] : memref<4x128x128xf32, #tpu.memory_space<vmem>> -> memref<1x128x128xf32, #tpu.memory_space<vmem>>
          %dma_wait3A_423 = tpu.memref_squeeze %dma_wait3A_422 : memref<1x128x128xf32, #tpu.memory_space<vmem>> -> memref<128x128xf32, #tpu.memory_space<vmem>>
          tpu.wait_dma2 semaphore(%dma_wait3A_416 : memref<!tpu.dma_semaphore, #tpu.memory_space<semaphore_mem>>) src(%dma_wait3A_423 : memref<128x128xf32, #tpu.memory_space<vmem>>) dst(%dma_wait3A_419 : memref<128x128xf32, #tpu.memory_space<hbm>>)
        } else {
        }
        %dma_start3A_390 = arith.constant 2 : i32
        %dma_start3A_391 = arith.constant 0 : i32
        %dma_start3A_392 = arith.constant 2 : i32
        %dma_start3A_393 = arith.constant 2 : i32
        %dma_start3A_394 = arith.constant 0 : i32
        %dma_start3A_395 = arith.constant 0 : i32
        %dma_start3A_396 = tpu.memref_slice %arg6[%dma_start3A_392, %dma_start3A_394, %dma_start3A_395] : memref<4x128x128xf32, #tpu.memory_space<vmem>> -> memref<1x128x128xf32, #tpu.memory_space<vmem>>
        %dma_start3A_397 = tpu.memref_squeeze %dma_start3A_396 : memref<1x128x128xf32, #tpu.memory_space<vmem>> -> memref<128x128xf32, #tpu.memory_space<vmem>>
        %dma_start3A_398 = arith.constant 0 : i32
        %dma_start3A_399 = tpu.memref_slice %arg5[%dma_start3A_390, %dma_start3A_391, %dma_start3A_398] : memref<4x1x128xi32, #tpu.memory_space<vmem>> -> memref<1x1x128xi32, #tpu.memory_space<vmem>>
        %dma_start3A_400 = tpu.memref_squeeze %dma_start3A_399 : memref<1x1x128xi32, #tpu.memory_space<vmem>> -> memref<128xi32, #tpu.memory_space<vmem>>
        %dma_start3A_401 = arith.constant 0 : i32
        %dma_start3A_402 = arith.constant 0 : i32
        %dma_start3A_403 = tpu.memref_slice %arg3[%dma_start3A_401, %dma_start3A_402] : memref<100000x128xf32, #tpu.memory_space<hbm>> -> memref<100000x128xf32, #tpu.memory_space<hbm>>
        %dma_start3A_404 = tpu.memref_slice %arg8[%dma_start3A_393] : memref<4x!tpu.dma_semaphore, #tpu.memory_space<semaphore_mem>> -> memref<1x!tpu.dma_semaphore, #tpu.memory_space<semaphore_mem>>
        %dma_start3A_405 = tpu.memref_squeeze %dma_start3A_404 : memref<1x!tpu.dma_semaphore, #tpu.memory_space<semaphore_mem>> -> memref<!tpu.dma_semaphore, #tpu.memory_space<semaphore_mem>>
        tpu.enqueue_indirect_dma source(%dma_start3A_403 : memref<100000x128xf32, #tpu.memory_space<hbm>>) target(%dma_start3A_397 : memref<128x128xf32, #tpu.memory_space<vmem>>) offsets(%dma_start3A_400 : memref<128xi32, #tpu.memory_space<vmem>>) semaphore(%dma_start3A_405 : memref<!tpu.dma_semaphore, #tpu.memory_space<semaphore_mem>>)
      } else {
      }
      %dma_wait3A_214 = arith.constant 1 : i32
      %dma_wait3A_215 = arith.constant 1 : i32
      %dma_wait3A_216 = arith.constant 0 : i32
      %dma_wait3A_217 = arith.constant 0 : i32
      %dma_wait3A_218 = tpu.memref_slice %arg6[%dma_wait3A_214, %dma_wait3A_216, %dma_wait3A_217] : memref<4x128x128xf32, #tpu.memory_space<vmem>> -> memref<1x128x128xf32, #tpu.memory_space<vmem>>
      %dma_wait3A_219 = tpu.memref_squeeze %dma_wait3A_218 : memref<1x128x128xf32, #tpu.memory_space<vmem>> -> memref<128x128xf32, #tpu.memory_space<vmem>>
      %dma_wait3A_220 = arith.constant 0 : i32
      %dma_wait3A_221 = arith.constant 0 : i32
      %dma_wait3A_222 = tpu.memref_slice %arg3[%dma_wait3A_220, %dma_wait3A_221] : memref<100000x128xf32, #tpu.memory_space<hbm>> -> memref<128x128xf32, #tpu.memory_space<hbm>>
      %dma_wait3A_223 = tpu.memref_slice %arg8[%dma_wait3A_215] : memref<4x!tpu.dma_semaphore, #tpu.memory_space<semaphore_mem>> -> memref<1x!tpu.dma_semaphore, #tpu.memory_space<semaphore_mem>>
      %dma_wait3A_224 = tpu.memref_squeeze %dma_wait3A_223 : memref<1x!tpu.dma_semaphore, #tpu.memory_space<semaphore_mem>> -> memref<!tpu.dma_semaphore, #tpu.memory_space<semaphore_mem>>
      %dma_wait3A_225 = arith.constant 0 : i32
      %dma_wait3A_226 = arith.constant 0 : i32
      %dma_wait3A_227 = tpu.memref_slice %arg6[%dma_wait3A_214, %dma_wait3A_225, %dma_wait3A_226] : memref<4x128x128xf32, #tpu.memory_space<vmem>> -> memref<1x128x128xf32, #tpu.memory_space<vmem>>
      %dma_wait3A_228 = tpu.memref_squeeze %dma_wait3A_227 : memref<1x128x128xf32, #tpu.memory_space<vmem>> -> memref<128x128xf32, #tpu.memory_space<vmem>>
      %dma_wait3A_229 = arith.constant 0 : i32
      %dma_wait3A_230 = arith.constant 0 : i32
      %dma_wait3A_231 = tpu.memref_slice %arg3[%dma_wait3A_229, %dma_wait3A_230] : memref<100000x128xf32, #tpu.memory_space<hbm>> -> memref<128x128xf32, #tpu.memory_space<hbm>>
      tpu.wait_dma2 semaphore(%dma_wait3A_224 : memref<!tpu.dma_semaphore, #tpu.memory_space<semaphore_mem>>) src(%dma_wait3A_231 : memref<128x128xf32, #tpu.memory_space<hbm>>) dst(%dma_wait3A_228 : memref<128x128xf32, #tpu.memory_space<vmem>>)
      %add3A_232 = arith.constant 2 : i32
      %add3A_233 = arith.addi %add3A_206, %add3A_232 : i32
      %lt3A_234 = arith.constant 200 : i32
      %lt3A_235 = arith.cmpi slt, %add3A_233, %lt3A_234 : i32
      %convert_element_type3A_236 = arith.extui %lt3A_235 : i1 to i32
      %cond3A_237 = arith.constant 0 : i32
      %cond3A_238 = arith.cmpi ne, %convert_element_type3A_236, %cond3A_237 : i32
      scf.if %cond3A_238 {
        %add3A_368 = arith.constant 2 : i32
        %add3A_369 = arith.addi %add3A_206, %add3A_368 : i32
        %add3A_370 = arith.addi %mul3A_4, %add3A_369 : i32
        %dma_start3A_371 = arith.constant 3 : i32
        %dma_start3A_372 = arith.constant 3 : i32
        %dma_start3A_373 = arith.constant 0 : i32
        %dma_start3A_374 = arith.constant 0 : i32
        %dma_start3A_375 = tpu.memref_slice %arg5[%dma_start3A_371, %dma_start3A_373, %dma_start3A_374] : memref<4x1x128xi32, #tpu.memory_space<vmem>> -> memref<1x1x128xi32, #tpu.memory_space<vmem>>
        %dma_start3A_376 = tpu.memref_squeeze %dma_start3A_375 : memref<1x1x128xi32, #tpu.memory_space<vmem>> -> memref<1x128xi32, #tpu.memory_space<vmem>>
        %dma_start3A_377 = arith.constant 0 : i32
        %dma_start3A_378 = tpu.memref_slice %arg2[%add3A_370, %dma_start3A_377] : memref<6400x128xi32, #tpu.memory_space<hbm>> -> memref<1x128xi32, #tpu.memory_space<hbm>>
        %dma_start3A_379 = tpu.memref_slice %arg7[%dma_start3A_372] : memref<4x!tpu.dma_semaphore, #tpu.memory_space<semaphore_mem>> -> memref<1x!tpu.dma_semaphore, #tpu.memory_space<semaphore_mem>>
        %dma_start3A_380 = tpu.memref_squeeze %dma_start3A_379 : memref<1x!tpu.dma_semaphore, #tpu.memory_space<semaphore_mem>> -> memref<!tpu.dma_semaphore, #tpu.memory_space<semaphore_mem>>
        %dma_start3A_381 = arith.constant 0 : i32
        %dma_start3A_382 = arith.constant 0 : i32
        %dma_start3A_383 = tpu.memref_slice %arg5[%dma_start3A_371, %dma_start3A_381, %dma_start3A_382] : memref<4x1x128xi32, #tpu.memory_space<vmem>> -> memref<1x1x128xi32, #tpu.memory_space<vmem>>
        %dma_start3A_384 = tpu.memref_squeeze %dma_start3A_383 : memref<1x1x128xi32, #tpu.memory_space<vmem>> -> memref<1x128xi32, #tpu.memory_space<vmem>>
        %dma_start3A_385 = arith.constant 0 : i32
        %dma_start3A_386 = tpu.memref_slice %arg2[%add3A_370, %dma_start3A_385] : memref<6400x128xi32, #tpu.memory_space<hbm>> -> memref<1x128xi32, #tpu.memory_space<hbm>>
        tpu.enqueue_dma source(%dma_start3A_386 : memref<1x128xi32, #tpu.memory_space<hbm>>) target(%dma_start3A_384 : memref<1x128xi32, #tpu.memory_space<vmem>>) target_semaphore(%dma_start3A_380 : memref<!tpu.dma_semaphore, #tpu.memory_space<semaphore_mem>>)
      } else {
      }
      %mul3A_239 = arith.constant 128 : i32
      %mul3A_240 = arith.muli %add3A_206, %mul3A_239 : i32
      %add3A_241 = arith.addi %mul3A_2, %mul3A_240 : i32
      %dma_start3A_242 = arith.constant 1 : i32
      %dma_start3A_243 = arith.constant 1 : i32
      %dma_start3A_244 = arith.constant 0 : i32
      %dma_start3A_245 = arith.constant 0 : i32
      %dma_start3A_246 = tpu.memref_slice %arg6[%dma_start3A_242, %dma_start3A_244, %dma_start3A_245] : memref<4x128x128xf32, #tpu.memory_space<vmem>> -> memref<1x128x128xf32, #tpu.memory_space<vmem>>
      %dma_start3A_247 = tpu.memref_squeeze %dma_start3A_246 : memref<1x128x128xf32, #tpu.memory_space<vmem>> -> memref<128x128xf32, #tpu.memory_space<vmem>>
      %dma_start3A_248 = arith.constant 0 : i32
      %dma_start3A_249 = tpu.memref_slice %arg4[%add3A_241, %dma_start3A_248] : memref<819200x128xf32, #tpu.memory_space<hbm>> -> memref<128x128xf32, #tpu.memory_space<hbm>>
      %dma_start3A_250 = tpu.memref_slice %arg9[%dma_start3A_243] : memref<4x!tpu.dma_semaphore, #tpu.memory_space<semaphore_mem>> -> memref<1x!tpu.dma_semaphore, #tpu.memory_space<semaphore_mem>>
      %dma_start3A_251 = tpu.memref_squeeze %dma_start3A_250 : memref<1x!tpu.dma_semaphore, #tpu.memory_space<semaphore_mem>> -> memref<!tpu.dma_semaphore, #tpu.memory_space<semaphore_mem>>
      %dma_start3A_252 = arith.constant 0 : i32
      %dma_start3A_253 = tpu.memref_slice %arg4[%add3A_241, %dma_start3A_252] : memref<819200x128xf32, #tpu.memory_space<hbm>> -> memref<128x128xf32, #tpu.memory_space<hbm>>
      %dma_start3A_254 = arith.constant 0 : i32
      %dma_start3A_255 = arith.constant 0 : i32
      %dma_start3A_256 = tpu.memref_slice %arg6[%dma_start3A_242, %dma_start3A_254, %dma_start3A_255] : memref<4x128x128xf32, #tpu.memory_space<vmem>> -> memref<1x128x128xf32, #tpu.memory_space<vmem>>
      %dma_start3A_257 = tpu.memref_squeeze %dma_start3A_256 : memref<1x128x128xf32, #tpu.memory_space<vmem>> -> memref<128x128xf32, #tpu.memory_space<vmem>>
      tpu.enqueue_dma source(%dma_start3A_257 : memref<128x128xf32, #tpu.memory_space<vmem>>) target(%dma_start3A_253 : memref<128x128xf32, #tpu.memory_space<hbm>>) target_semaphore(%dma_start3A_251 : memref<!tpu.dma_semaphore, #tpu.memory_space<semaphore_mem>>)
      %mul3A_258 = arith.constant 4 : i32
      %mul3A_259 = arith.muli %scan3A_150, %mul3A_258 : i32
      %add3A_260 = arith.constant 2 : i32
      %add3A_261 = arith.addi %mul3A_259, %add3A_260 : i32
      %add3A_262 = arith.constant 1 : i32
      %add3A_263 = arith.addi %add3A_261, %add3A_262 : i32
      %lt3A_264 = arith.constant 200 : i32
      %lt3A_265 = arith.cmpi slt, %add3A_263, %lt3A_264 : i32
      %convert_element_type3A_266 = arith.extui %lt3A_265 : i1 to i32
      %cond3A_267 = arith.constant 0 : i32
      %cond3A_268 = arith.cmpi ne, %convert_element_type3A_266, %cond3A_267 : i32
      scf.if %cond3A_268 {
        %dma_wait3A_368 = arith.constant 3 : i32
        %dma_wait3A_369 = arith.constant 3 : i32
        %dma_wait3A_370 = arith.constant 0 : i32
        %dma_wait3A_371 = arith.constant 0 : i32
        %dma_wait3A_372 = tpu.memref_slice %arg5[%dma_wait3A_368, %dma_wait3A_370, %dma_wait3A_371] : memref<4x1x128xi32, #tpu.memory_space<vmem>> -> memref<1x1x128xi32, #tpu.memory_space<vmem>>
        %dma_wait3A_373 = tpu.memref_squeeze %dma_wait3A_372 : memref<1x1x128xi32, #tpu.memory_space<vmem>> -> memref<1x128xi32, #tpu.memory_space<vmem>>
        %dma_wait3A_374 = arith.constant 0 : i32
        %dma_wait3A_375 = arith.constant 0 : i32
        %dma_wait3A_376 = tpu.memref_slice %arg2[%dma_wait3A_374, %dma_wait3A_375] : memref<6400x128xi32, #tpu.memory_space<hbm>> -> memref<1x128xi32, #tpu.memory_space<hbm>>
        %dma_wait3A_377 = tpu.memref_slice %arg7[%dma_wait3A_369] : memref<4x!tpu.dma_semaphore, #tpu.memory_space<semaphore_mem>> -> memref<1x!tpu.dma_semaphore, #tpu.memory_space<semaphore_mem>>
        %dma_wait3A_378 = tpu.memref_squeeze %dma_wait3A_377 : memref<1x!tpu.dma_semaphore, #tpu.memory_space<semaphore_mem>> -> memref<!tpu.dma_semaphore, #tpu.memory_space<semaphore_mem>>
        %dma_wait3A_379 = arith.constant 0 : i32
        %dma_wait3A_380 = arith.constant 0 : i32
        %dma_wait3A_381 = tpu.memref_slice %arg5[%dma_wait3A_368, %dma_wait3A_379, %dma_wait3A_380] : memref<4x1x128xi32, #tpu.memory_space<vmem>> -> memref<1x1x128xi32, #tpu.memory_space<vmem>>
        %dma_wait3A_382 = tpu.memref_squeeze %dma_wait3A_381 : memref<1x1x128xi32, #tpu.memory_space<vmem>> -> memref<1x128xi32, #tpu.memory_space<vmem>>
        %dma_wait3A_383 = arith.constant 0 : i32
        %dma_wait3A_384 = arith.constant 0 : i32
        %dma_wait3A_385 = tpu.memref_slice %arg2[%dma_wait3A_383, %dma_wait3A_384] : memref<6400x128xi32, #tpu.memory_space<hbm>> -> memref<1x128xi32, #tpu.memory_space<hbm>>
        tpu.wait_dma2 semaphore(%dma_wait3A_378 : memref<!tpu.dma_semaphore, #tpu.memory_space<semaphore_mem>>) src(%dma_wait3A_385 : memref<1x128xi32, #tpu.memory_space<hbm>>) dst(%dma_wait3A_382 : memref<1x128xi32, #tpu.memory_space<vmem>>)
        %ge3A = arith.constant 3 : i32
        %ge3A_386 = arith.cmpi sge, %add3A_261, %ge3A : i32
        %convert_element_type3A_387 = arith.extui %ge3A_386 : i1 to i32
        %cond3A_388 = arith.constant 0 : i32
        %cond3A_389 = arith.cmpi ne, %convert_element_type3A_387, %cond3A_388 : i32
        scf.if %cond3A_389 {
          %dma_wait3A_406 = arith.constant 3 : i32
          %dma_wait3A_407 = arith.constant 3 : i32
          %dma_wait3A_408 = arith.constant 0 : i32
          %dma_wait3A_409 = arith.constant 0 : i32
          %dma_wait3A_410 = tpu.memref_slice %arg6[%dma_wait3A_406, %dma_wait3A_408, %dma_wait3A_409] : memref<4x128x128xf32, #tpu.memory_space<vmem>> -> memref<1x128x128xf32, #tpu.memory_space<vmem>>
          %dma_wait3A_411 = tpu.memref_squeeze %dma_wait3A_410 : memref<1x128x128xf32, #tpu.memory_space<vmem>> -> memref<128x128xf32, #tpu.memory_space<vmem>>
          %dma_wait3A_412 = arith.constant 0 : i32
          %dma_wait3A_413 = arith.constant 0 : i32
          %dma_wait3A_414 = tpu.memref_slice %arg4[%dma_wait3A_412, %dma_wait3A_413] : memref<819200x128xf32, #tpu.memory_space<hbm>> -> memref<128x128xf32, #tpu.memory_space<hbm>>
          %dma_wait3A_415 = tpu.memref_slice %arg9[%dma_wait3A_407] : memref<4x!tpu.dma_semaphore, #tpu.memory_space<semaphore_mem>> -> memref<1x!tpu.dma_semaphore, #tpu.memory_space<semaphore_mem>>
          %dma_wait3A_416 = tpu.memref_squeeze %dma_wait3A_415 : memref<1x!tpu.dma_semaphore, #tpu.memory_space<semaphore_mem>> -> memref<!tpu.dma_semaphore, #tpu.memory_space<semaphore_mem>>
          %dma_wait3A_417 = arith.constant 0 : i32
          %dma_wait3A_418 = arith.constant 0 : i32
          %dma_wait3A_419 = tpu.memref_slice %arg4[%dma_wait3A_417, %dma_wait3A_418] : memref<819200x128xf32, #tpu.memory_space<hbm>> -> memref<128x128xf32, #tpu.memory_space<hbm>>
          %dma_wait3A_420 = arith.constant 0 : i32
          %dma_wait3A_421 = arith.constant 0 : i32
          %dma_wait3A_422 = tpu.memref_slice %arg6[%dma_wait3A_406, %dma_wait3A_420, %dma_wait3A_421] : memref<4x128x128xf32, #tpu.memory_space<vmem>> -> memref<1x128x128xf32, #tpu.memory_space<vmem>>
          %dma_wait3A_423 = tpu.memref_squeeze %dma_wait3A_422 : memref<1x128x128xf32, #tpu.memory_space<vmem>> -> memref<128x128xf32, #tpu.memory_space<vmem>>
          tpu.wait_dma2 semaphore(%dma_wait3A_416 : memref<!tpu.dma_semaphore, #tpu.memory_space<semaphore_mem>>) src(%dma_wait3A_423 : memref<128x128xf32, #tpu.memory_space<vmem>>) dst(%dma_wait3A_419 : memref<128x128xf32, #tpu.memory_space<hbm>>)
        } else {
        }
        %dma_start3A_390 = arith.constant 3 : i32
        %dma_start3A_391 = arith.constant 0 : i32
        %dma_start3A_392 = arith.constant 3 : i32
        %dma_start3A_393 = arith.constant 3 : i32
        %dma_start3A_394 = arith.constant 0 : i32
        %dma_start3A_395 = arith.constant 0 : i32
        %dma_start3A_396 = tpu.memref_slice %arg6[%dma_start3A_392, %dma_start3A_394, %dma_start3A_395] : memref<4x128x128xf32, #tpu.memory_space<vmem>> -> memref<1x128x128xf32, #tpu.memory_space<vmem>>
        %dma_start3A_397 = tpu.memref_squeeze %dma_start3A_396 : memref<1x128x128xf32, #tpu.memory_space<vmem>> -> memref<128x128xf32, #tpu.memory_space<vmem>>
        %dma_start3A_398 = arith.constant 0 : i32
        %dma_start3A_399 = tpu.memref_slice %arg5[%dma_start3A_390, %dma_start3A_391, %dma_start3A_398] : memref<4x1x128xi32, #tpu.memory_space<vmem>> -> memref<1x1x128xi32, #tpu.memory_space<vmem>>
        %dma_start3A_400 = tpu.memref_squeeze %dma_start3A_399 : memref<1x1x128xi32, #tpu.memory_space<vmem>> -> memref<128xi32, #tpu.memory_space<vmem>>
        %dma_start3A_401 = arith.constant 0 : i32
        %dma_start3A_402 = arith.constant 0 : i32
        %dma_start3A_403 = tpu.memref_slice %arg3[%dma_start3A_401, %dma_start3A_402] : memref<100000x128xf32, #tpu.memory_space<hbm>> -> memref<100000x128xf32, #tpu.memory_space<hbm>>
        %dma_start3A_404 = tpu.memref_slice %arg8[%dma_start3A_393] : memref<4x!tpu.dma_semaphore, #tpu.memory_space<semaphore_mem>> -> memref<1x!tpu.dma_semaphore, #tpu.memory_space<semaphore_mem>>
        %dma_start3A_405 = tpu.memref_squeeze %dma_start3A_404 : memref<1x!tpu.dma_semaphore, #tpu.memory_space<semaphore_mem>> -> memref<!tpu.dma_semaphore, #tpu.memory_space<semaphore_mem>>
        tpu.enqueue_indirect_dma source(%dma_start3A_403 : memref<100000x128xf32, #tpu.memory_space<hbm>>) target(%dma_start3A_397 : memref<128x128xf32, #tpu.memory_space<vmem>>) offsets(%dma_start3A_400 : memref<128xi32, #tpu.memory_space<vmem>>) semaphore(%dma_start3A_405 : memref<!tpu.dma_semaphore, #tpu.memory_space<semaphore_mem>>)
      } else {
      }
      %dma_wait3A_269 = arith.constant 2 : i32
      %dma_wait3A_270 = arith.constant 2 : i32
      %dma_wait3A_271 = arith.constant 0 : i32
      %dma_wait3A_272 = arith.constant 0 : i32
      %dma_wait3A_273 = tpu.memref_slice %arg6[%dma_wait3A_269, %dma_wait3A_271, %dma_wait3A_272] : memref<4x128x128xf32, #tpu.memory_space<vmem>> -> memref<1x128x128xf32, #tpu.memory_space<vmem>>
      %dma_wait3A_274 = tpu.memref_squeeze %dma_wait3A_273 : memref<1x128x128xf32, #tpu.memory_space<vmem>> -> memref<128x128xf32, #tpu.memory_space<vmem>>
      %dma_wait3A_275 = arith.constant 0 : i32
      %dma_wait3A_276 = arith.constant 0 : i32
      %dma_wait3A_277 = tpu.memref_slice %arg3[%dma_wait3A_275, %dma_wait3A_276] : memref<100000x128xf32, #tpu.memory_space<hbm>> -> memref<128x128xf32, #tpu.memory_space<hbm>>
      %dma_wait3A_278 = tpu.memref_slice %arg8[%dma_wait3A_270] : memref<4x!tpu.dma_semaphore, #tpu.memory_space<semaphore_mem>> -> memref<1x!tpu.dma_semaphore, #tpu.memory_space<semaphore_mem>>
      %dma_wait3A_279 = tpu.memref_squeeze %dma_wait3A_278 : memref<1x!tpu.dma_semaphore, #tpu.memory_space<semaphore_mem>> -> memref<!tpu.dma_semaphore, #tpu.memory_space<semaphore_mem>>
      %dma_wait3A_280 = arith.constant 0 : i32
      %dma_wait3A_281 = arith.constant 0 : i32
      %dma_wait3A_282 = tpu.memref_slice %arg6[%dma_wait3A_269, %dma_wait3A_280, %dma_wait3A_281] : memref<4x128x128xf32, #tpu.memory_space<vmem>> -> memref<1x128x128xf32, #tpu.memory_space<vmem>>
      %dma_wait3A_283 = tpu.memref_squeeze %dma_wait3A_282 : memref<1x128x128xf32, #tpu.memory_space<vmem>> -> memref<128x128xf32, #tpu.memory_space<vmem>>
      %dma_wait3A_284 = arith.constant 0 : i32
      %dma_wait3A_285 = arith.constant 0 : i32
      %dma_wait3A_286 = tpu.memref_slice %arg3[%dma_wait3A_284, %dma_wait3A_285] : memref<100000x128xf32, #tpu.memory_space<hbm>> -> memref<128x128xf32, #tpu.memory_space<hbm>>
      tpu.wait_dma2 semaphore(%dma_wait3A_279 : memref<!tpu.dma_semaphore, #tpu.memory_space<semaphore_mem>>) src(%dma_wait3A_286 : memref<128x128xf32, #tpu.memory_space<hbm>>) dst(%dma_wait3A_283 : memref<128x128xf32, #tpu.memory_space<vmem>>)
      %add3A_287 = arith.constant 2 : i32
      %add3A_288 = arith.addi %add3A_261, %add3A_287 : i32
      %lt3A_289 = arith.constant 200 : i32
      %lt3A_290 = arith.cmpi slt, %add3A_288, %lt3A_289 : i32
      %convert_element_type3A_291 = arith.extui %lt3A_290 : i1 to i32
      %cond3A_292 = arith.constant 0 : i32
      %cond3A_293 = arith.cmpi ne, %convert_element_type3A_291, %cond3A_292 : i32
      scf.if %cond3A_293 {
        %add3A_368 = arith.constant 2 : i32
        %add3A_369 = arith.addi %add3A_261, %add3A_368 : i32
        %add3A_370 = arith.addi %mul3A_4, %add3A_369 : i32
        %dma_start3A_371 = arith.constant 0 : i32
        %dma_start3A_372 = arith.constant 0 : i32
        %dma_start3A_373 = arith.constant 0 : i32
        %dma_start3A_374 = arith.constant 0 : i32
        %dma_start3A_375 = tpu.memref_slice %arg5[%dma_start3A_371, %dma_start3A_373, %dma_start3A_374] : memref<4x1x128xi32, #tpu.memory_space<vmem>> -> memref<1x1x128xi32, #tpu.memory_space<vmem>>
        %dma_start3A_376 = tpu.memref_squeeze %dma_start3A_375 : memref<1x1x128xi32, #tpu.memory_space<vmem>> -> memref<1x128xi32, #tpu.memory_space<vmem>>
        %dma_start3A_377 = arith.constant 0 : i32
        %dma_start3A_378 = tpu.memref_slice %arg2[%add3A_370, %dma_start3A_377] : memref<6400x128xi32, #tpu.memory_space<hbm>> -> memref<1x128xi32, #tpu.memory_space<hbm>>
        %dma_start3A_379 = tpu.memref_slice %arg7[%dma_start3A_372] : memref<4x!tpu.dma_semaphore, #tpu.memory_space<semaphore_mem>> -> memref<1x!tpu.dma_semaphore, #tpu.memory_space<semaphore_mem>>
        %dma_start3A_380 = tpu.memref_squeeze %dma_start3A_379 : memref<1x!tpu.dma_semaphore, #tpu.memory_space<semaphore_mem>> -> memref<!tpu.dma_semaphore, #tpu.memory_space<semaphore_mem>>
        %dma_start3A_381 = arith.constant 0 : i32
        %dma_start3A_382 = arith.constant 0 : i32
        %dma_start3A_383 = tpu.memref_slice %arg5[%dma_start3A_371, %dma_start3A_381, %dma_start3A_382] : memref<4x1x128xi32, #tpu.memory_space<vmem>> -> memref<1x1x128xi32, #tpu.memory_space<vmem>>
        %dma_start3A_384 = tpu.memref_squeeze %dma_start3A_383 : memref<1x1x128xi32, #tpu.memory_space<vmem>> -> memref<1x128xi32, #tpu.memory_space<vmem>>
        %dma_start3A_385 = arith.constant 0 : i32
        %dma_start3A_386 = tpu.memref_slice %arg2[%add3A_370, %dma_start3A_385] : memref<6400x128xi32, #tpu.memory_space<hbm>> -> memref<1x128xi32, #tpu.memory_space<hbm>>
        tpu.enqueue_dma source(%dma_start3A_386 : memref<1x128xi32, #tpu.memory_space<hbm>>) target(%dma_start3A_384 : memref<1x128xi32, #tpu.memory_space<vmem>>) target_semaphore(%dma_start3A_380 : memref<!tpu.dma_semaphore, #tpu.memory_space<semaphore_mem>>)
      } else {
      }
      %mul3A_294 = arith.constant 128 : i32
      %mul3A_295 = arith.muli %add3A_261, %mul3A_294 : i32
      %add3A_296 = arith.addi %mul3A_2, %mul3A_295 : i32
      %dma_start3A_297 = arith.constant 2 : i32
      %dma_start3A_298 = arith.constant 2 : i32
      %dma_start3A_299 = arith.constant 0 : i32
      %dma_start3A_300 = arith.constant 0 : i32
      %dma_start3A_301 = tpu.memref_slice %arg6[%dma_start3A_297, %dma_start3A_299, %dma_start3A_300] : memref<4x128x128xf32, #tpu.memory_space<vmem>> -> memref<1x128x128xf32, #tpu.memory_space<vmem>>
      %dma_start3A_302 = tpu.memref_squeeze %dma_start3A_301 : memref<1x128x128xf32, #tpu.memory_space<vmem>> -> memref<128x128xf32, #tpu.memory_space<vmem>>
      %dma_start3A_303 = arith.constant 0 : i32
      %dma_start3A_304 = tpu.memref_slice %arg4[%add3A_296, %dma_start3A_303] : memref<819200x128xf32, #tpu.memory_space<hbm>> -> memref<128x128xf32, #tpu.memory_space<hbm>>
      %dma_start3A_305 = tpu.memref_slice %arg9[%dma_start3A_298] : memref<4x!tpu.dma_semaphore, #tpu.memory_space<semaphore_mem>> -> memref<1x!tpu.dma_semaphore, #tpu.memory_space<semaphore_mem>>
      %dma_start3A_306 = tpu.memref_squeeze %dma_start3A_305 : memref<1x!tpu.dma_semaphore, #tpu.memory_space<semaphore_mem>> -> memref<!tpu.dma_semaphore, #tpu.memory_space<semaphore_mem>>
      %dma_start3A_307 = arith.constant 0 : i32
      %dma_start3A_308 = tpu.memref_slice %arg4[%add3A_296, %dma_start3A_307] : memref<819200x128xf32, #tpu.memory_space<hbm>> -> memref<128x128xf32, #tpu.memory_space<hbm>>
      %dma_start3A_309 = arith.constant 0 : i32
      %dma_start3A_310 = arith.constant 0 : i32
      %dma_start3A_311 = tpu.memref_slice %arg6[%dma_start3A_297, %dma_start3A_309, %dma_start3A_310] : memref<4x128x128xf32, #tpu.memory_space<vmem>> -> memref<1x128x128xf32, #tpu.memory_space<vmem>>
      %dma_start3A_312 = tpu.memref_squeeze %dma_start3A_311 : memref<1x128x128xf32, #tpu.memory_space<vmem>> -> memref<128x128xf32, #tpu.memory_space<vmem>>
      tpu.enqueue_dma source(%dma_start3A_312 : memref<128x128xf32, #tpu.memory_space<vmem>>) target(%dma_start3A_308 : memref<128x128xf32, #tpu.memory_space<hbm>>) target_semaphore(%dma_start3A_306 : memref<!tpu.dma_semaphore, #tpu.memory_space<semaphore_mem>>)
      %mul3A_313 = arith.constant 4 : i32
      %mul3A_314 = arith.muli %scan3A_150, %mul3A_313 : i32
      %add3A_315 = arith.constant 3 : i32
      %add3A_316 = arith.addi %mul3A_314, %add3A_315 : i32
      %add3A_317 = arith.constant 1 : i32
      %add3A_318 = arith.addi %add3A_316, %add3A_317 : i32
      %lt3A_319 = arith.constant 200 : i32
      %lt3A_320 = arith.cmpi slt, %add3A_318, %lt3A_319 : i32
      %convert_element_type3A_321 = arith.extui %lt3A_320 : i1 to i32
      %cond3A_322 = arith.constant 0 : i32
      %cond3A_323 = arith.cmpi ne, %convert_element_type3A_321, %cond3A_322 : i32
      scf.if %cond3A_323 {
        %dma_wait3A_368 = arith.constant 0 : i32
        %dma_wait3A_369 = arith.constant 0 : i32
        %dma_wait3A_370 = arith.constant 0 : i32
        %dma_wait3A_371 = arith.constant 0 : i32
        %dma_wait3A_372 = tpu.memref_slice %arg5[%dma_wait3A_368, %dma_wait3A_370, %dma_wait3A_371] : memref<4x1x128xi32, #tpu.memory_space<vmem>> -> memref<1x1x128xi32, #tpu.memory_space<vmem>>
        %dma_wait3A_373 = tpu.memref_squeeze %dma_wait3A_372 : memref<1x1x128xi32, #tpu.memory_space<vmem>> -> memref<1x128xi32, #tpu.memory_space<vmem>>
        %dma_wait3A_374 = arith.constant 0 : i32
        %dma_wait3A_375 = arith.constant 0 : i32
        %dma_wait3A_376 = tpu.memref_slice %arg2[%dma_wait3A_374, %dma_wait3A_375] : memref<6400x128xi32, #tpu.memory_space<hbm>> -> memref<1x128xi32, #tpu.memory_space<hbm>>
        %dma_wait3A_377 = tpu.memref_slice %arg7[%dma_wait3A_369] : memref<4x!tpu.dma_semaphore, #tpu.memory_space<semaphore_mem>> -> memref<1x!tpu.dma_semaphore, #tpu.memory_space<semaphore_mem>>
        %dma_wait3A_378 = tpu.memref_squeeze %dma_wait3A_377 : memref<1x!tpu.dma_semaphore, #tpu.memory_space<semaphore_mem>> -> memref<!tpu.dma_semaphore, #tpu.memory_space<semaphore_mem>>
        %dma_wait3A_379 = arith.constant 0 : i32
        %dma_wait3A_380 = arith.constant 0 : i32
        %dma_wait3A_381 = tpu.memref_slice %arg5[%dma_wait3A_368, %dma_wait3A_379, %dma_wait3A_380] : memref<4x1x128xi32, #tpu.memory_space<vmem>> -> memref<1x1x128xi32, #tpu.memory_space<vmem>>
        %dma_wait3A_382 = tpu.memref_squeeze %dma_wait3A_381 : memref<1x1x128xi32, #tpu.memory_space<vmem>> -> memref<1x128xi32, #tpu.memory_space<vmem>>
        %dma_wait3A_383 = arith.constant 0 : i32
        %dma_wait3A_384 = arith.constant 0 : i32
        %dma_wait3A_385 = tpu.memref_slice %arg2[%dma_wait3A_383, %dma_wait3A_384] : memref<6400x128xi32, #tpu.memory_space<hbm>> -> memref<1x128xi32, #tpu.memory_space<hbm>>
        tpu.wait_dma2 semaphore(%dma_wait3A_378 : memref<!tpu.dma_semaphore, #tpu.memory_space<semaphore_mem>>) src(%dma_wait3A_385 : memref<1x128xi32, #tpu.memory_space<hbm>>) dst(%dma_wait3A_382 : memref<1x128xi32, #tpu.memory_space<vmem>>)
        %ge3A = arith.constant 3 : i32
        %ge3A_386 = arith.cmpi sge, %add3A_316, %ge3A : i32
        %convert_element_type3A_387 = arith.extui %ge3A_386 : i1 to i32
        %cond3A_388 = arith.constant 0 : i32
        %cond3A_389 = arith.cmpi ne, %convert_element_type3A_387, %cond3A_388 : i32
        scf.if %cond3A_389 {
          %dma_wait3A_406 = arith.constant 0 : i32
          %dma_wait3A_407 = arith.constant 0 : i32
          %dma_wait3A_408 = arith.constant 0 : i32
          %dma_wait3A_409 = arith.constant 0 : i32
          %dma_wait3A_410 = tpu.memref_slice %arg6[%dma_wait3A_406, %dma_wait3A_408, %dma_wait3A_409] : memref<4x128x128xf32, #tpu.memory_space<vmem>> -> memref<1x128x128xf32, #tpu.memory_space<vmem>>
          %dma_wait3A_411 = tpu.memref_squeeze %dma_wait3A_410 : memref<1x128x128xf32, #tpu.memory_space<vmem>> -> memref<128x128xf32, #tpu.memory_space<vmem>>
          %dma_wait3A_412 = arith.constant 0 : i32
          %dma_wait3A_413 = arith.constant 0 : i32
          %dma_wait3A_414 = tpu.memref_slice %arg4[%dma_wait3A_412, %dma_wait3A_413] : memref<819200x128xf32, #tpu.memory_space<hbm>> -> memref<128x128xf32, #tpu.memory_space<hbm>>
          %dma_wait3A_415 = tpu.memref_slice %arg9[%dma_wait3A_407] : memref<4x!tpu.dma_semaphore, #tpu.memory_space<semaphore_mem>> -> memref<1x!tpu.dma_semaphore, #tpu.memory_space<semaphore_mem>>
          %dma_wait3A_416 = tpu.memref_squeeze %dma_wait3A_415 : memref<1x!tpu.dma_semaphore, #tpu.memory_space<semaphore_mem>> -> memref<!tpu.dma_semaphore, #tpu.memory_space<semaphore_mem>>
          %dma_wait3A_417 = arith.constant 0 : i32
          %dma_wait3A_418 = arith.constant 0 : i32
          %dma_wait3A_419 = tpu.memref_slice %arg4[%dma_wait3A_417, %dma_wait3A_418] : memref<819200x128xf32, #tpu.memory_space<hbm>> -> memref<128x128xf32, #tpu.memory_space<hbm>>
          %dma_wait3A_420 = arith.constant 0 : i32
          %dma_wait3A_421 = arith.constant 0 : i32
          %dma_wait3A_422 = tpu.memref_slice %arg6[%dma_wait3A_406, %dma_wait3A_420, %dma_wait3A_421] : memref<4x128x128xf32, #tpu.memory_space<vmem>> -> memref<1x128x128xf32, #tpu.memory_space<vmem>>
          %dma_wait3A_423 = tpu.memref_squeeze %dma_wait3A_422 : memref<1x128x128xf32, #tpu.memory_space<vmem>> -> memref<128x128xf32, #tpu.memory_space<vmem>>
          tpu.wait_dma2 semaphore(%dma_wait3A_416 : memref<!tpu.dma_semaphore, #tpu.memory_space<semaphore_mem>>) src(%dma_wait3A_423 : memref<128x128xf32, #tpu.memory_space<vmem>>) dst(%dma_wait3A_419 : memref<128x128xf32, #tpu.memory_space<hbm>>)
        } else {
        }
        %dma_start3A_390 = arith.constant 0 : i32
        %dma_start3A_391 = arith.constant 0 : i32
        %dma_start3A_392 = arith.constant 0 : i32
        %dma_start3A_393 = arith.constant 0 : i32
        %dma_start3A_394 = arith.constant 0 : i32
        %dma_start3A_395 = arith.constant 0 : i32
        %dma_start3A_396 = tpu.memref_slice %arg6[%dma_start3A_392, %dma_start3A_394, %dma_start3A_395] : memref<4x128x128xf32, #tpu.memory_space<vmem>> -> memref<1x128x128xf32, #tpu.memory_space<vmem>>
        %dma_start3A_397 = tpu.memref_squeeze %dma_start3A_396 : memref<1x128x128xf32, #tpu.memory_space<vmem>> -> memref<128x128xf32, #tpu.memory_space<vmem>>
        %dma_start3A_398 = arith.constant 0 : i32
        %dma_start3A_399 = tpu.memref_slice %arg5[%dma_start3A_390, %dma_start3A_391, %dma_start3A_398] : memref<4x1x128xi32, #tpu.memory_space<vmem>> -> memref<1x1x128xi32, #tpu.memory_space<vmem>>
        %dma_start3A_400 = tpu.memref_squeeze %dma_start3A_399 : memref<1x1x128xi32, #tpu.memory_space<vmem>> -> memref<128xi32, #tpu.memory_space<vmem>>
        %dma_start3A_401 = arith.constant 0 : i32
        %dma_start3A_402 = arith.constant 0 : i32
        %dma_start3A_403 = tpu.memref_slice %arg3[%dma_start3A_401, %dma_start3A_402] : memref<100000x128xf32, #tpu.memory_space<hbm>> -> memref<100000x128xf32, #tpu.memory_space<hbm>>
        %dma_start3A_404 = tpu.memref_slice %arg8[%dma_start3A_393] : memref<4x!tpu.dma_semaphore, #tpu.memory_space<semaphore_mem>> -> memref<1x!tpu.dma_semaphore, #tpu.memory_space<semaphore_mem>>
        %dma_start3A_405 = tpu.memref_squeeze %dma_start3A_404 : memref<1x!tpu.dma_semaphore, #tpu.memory_space<semaphore_mem>> -> memref<!tpu.dma_semaphore, #tpu.memory_space<semaphore_mem>>
        tpu.enqueue_indirect_dma source(%dma_start3A_403 : memref<100000x128xf32, #tpu.memory_space<hbm>>) target(%dma_start3A_397 : memref<128x128xf32, #tpu.memory_space<vmem>>) offsets(%dma_start3A_400 : memref<128xi32, #tpu.memory_space<vmem>>) semaphore(%dma_start3A_405 : memref<!tpu.dma_semaphore, #tpu.memory_space<semaphore_mem>>)
      } else {
      }
      %dma_wait3A_324 = arith.constant 3 : i32
      %dma_wait3A_325 = arith.constant 3 : i32
      %dma_wait3A_326 = arith.constant 0 : i32
      %dma_wait3A_327 = arith.constant 0 : i32
      %dma_wait3A_328 = tpu.memref_slice %arg6[%dma_wait3A_324, %dma_wait3A_326, %dma_wait3A_327] : memref<4x128x128xf32, #tpu.memory_space<vmem>> -> memref<1x128x128xf32, #tpu.memory_space<vmem>>
      %dma_wait3A_329 = tpu.memref_squeeze %dma_wait3A_328 : memref<1x128x128xf32, #tpu.memory_space<vmem>> -> memref<128x128xf32, #tpu.memory_space<vmem>>
      %dma_wait3A_330 = arith.constant 0 : i32
      %dma_wait3A_331 = arith.constant 0 : i32
      %dma_wait3A_332 = tpu.memref_slice %arg3[%dma_wait3A_330, %dma_wait3A_331] : memref<100000x128xf32, #tpu.memory_space<hbm>> -> memref<128x128xf32, #tpu.memory_space<hbm>>
      %dma_wait3A_333 = tpu.memref_slice %arg8[%dma_wait3A_325] : memref<4x!tpu.dma_semaphore, #tpu.memory_space<semaphore_mem>> -> memref<1x!tpu.dma_semaphore, #tpu.memory_space<semaphore_mem>>
      %dma_wait3A_334 = tpu.memref_squeeze %dma_wait3A_333 : memref<1x!tpu.dma_semaphore, #tpu.memory_space<semaphore_mem>> -> memref<!tpu.dma_semaphore, #tpu.memory_space<semaphore_mem>>
      %dma_wait3A_335 = arith.constant 0 : i32
      %dma_wait3A_336 = arith.constant 0 : i32
      %dma_wait3A_337 = tpu.memref_slice %arg6[%dma_wait3A_324, %dma_wait3A_335, %dma_wait3A_336] : memref<4x128x128xf32, #tpu.memory_space<vmem>> -> memref<1x128x128xf32, #tpu.memory_space<vmem>>
      %dma_wait3A_338 = tpu.memref_squeeze %dma_wait3A_337 : memref<1x128x128xf32, #tpu.memory_space<vmem>> -> memref<128x128xf32, #tpu.memory_space<vmem>>
      %dma_wait3A_339 = arith.constant 0 : i32
      %dma_wait3A_340 = arith.constant 0 : i32
      %dma_wait3A_341 = tpu.memref_slice %arg3[%dma_wait3A_339, %dma_wait3A_340] : memref<100000x128xf32, #tpu.memory_space<hbm>> -> memref<128x128xf32, #tpu.memory_space<hbm>>
      tpu.wait_dma2 semaphore(%dma_wait3A_334 : memref<!tpu.dma_semaphore, #tpu.memory_space<semaphore_mem>>) src(%dma_wait3A_341 : memref<128x128xf32, #tpu.memory_space<hbm>>) dst(%dma_wait3A_338 : memref<128x128xf32, #tpu.memory_space<vmem>>)
      %add3A_342 = arith.constant 2 : i32
      %add3A_343 = arith.addi %add3A_316, %add3A_342 : i32
      %lt3A_344 = arith.constant 200 : i32
      %lt3A_345 = arith.cmpi slt, %add3A_343, %lt3A_344 : i32
      %convert_element_type3A_346 = arith.extui %lt3A_345 : i1 to i32
      %cond3A_347 = arith.constant 0 : i32
      %cond3A_348 = arith.cmpi ne, %convert_element_type3A_346, %cond3A_347 : i32
      scf.if %cond3A_348 {
        %add3A_368 = arith.constant 2 : i32
        %add3A_369 = arith.addi %add3A_316, %add3A_368 : i32
        %add3A_370 = arith.addi %mul3A_4, %add3A_369 : i32
        %dma_start3A_371 = arith.constant 1 : i32
        %dma_start3A_372 = arith.constant 1 : i32
        %dma_start3A_373 = arith.constant 0 : i32
        %dma_start3A_374 = arith.constant 0 : i32
        %dma_start3A_375 = tpu.memref_slice %arg5[%dma_start3A_371, %dma_start3A_373, %dma_start3A_374] : memref<4x1x128xi32, #tpu.memory_space<vmem>> -> memref<1x1x128xi32, #tpu.memory_space<vmem>>
        %dma_start3A_376 = tpu.memref_squeeze %dma_start3A_375 : memref<1x1x128xi32, #tpu.memory_space<vmem>> -> memref<1x128xi32, #tpu.memory_space<vmem>>
        %dma_start3A_377 = arith.constant 0 : i32
        %dma_start3A_378 = tpu.memref_slice %arg2[%add3A_370, %dma_start3A_377] : memref<6400x128xi32, #tpu.memory_space<hbm>> -> memref<1x128xi32, #tpu.memory_space<hbm>>
        %dma_start3A_379 = tpu.memref_slice %arg7[%dma_start3A_372] : memref<4x!tpu.dma_semaphore, #tpu.memory_space<semaphore_mem>> -> memref<1x!tpu.dma_semaphore, #tpu.memory_space<semaphore_mem>>
        %dma_start3A_380 = tpu.memref_squeeze %dma_start3A_379 : memref<1x!tpu.dma_semaphore, #tpu.memory_space<semaphore_mem>> -> memref<!tpu.dma_semaphore, #tpu.memory_space<semaphore_mem>>
        %dma_start3A_381 = arith.constant 0 : i32
        %dma_start3A_382 = arith.constant 0 : i32
        %dma_start3A_383 = tpu.memref_slice %arg5[%dma_start3A_371, %dma_start3A_381, %dma_start3A_382] : memref<4x1x128xi32, #tpu.memory_space<vmem>> -> memref<1x1x128xi32, #tpu.memory_space<vmem>>
        %dma_start3A_384 = tpu.memref_squeeze %dma_start3A_383 : memref<1x1x128xi32, #tpu.memory_space<vmem>> -> memref<1x128xi32, #tpu.memory_space<vmem>>
        %dma_start3A_385 = arith.constant 0 : i32
        %dma_start3A_386 = tpu.memref_slice %arg2[%add3A_370, %dma_start3A_385] : memref<6400x128xi32, #tpu.memory_space<hbm>> -> memref<1x128xi32, #tpu.memory_space<hbm>>
        tpu.enqueue_dma source(%dma_start3A_386 : memref<1x128xi32, #tpu.memory_space<hbm>>) target(%dma_start3A_384 : memref<1x128xi32, #tpu.memory_space<vmem>>) target_semaphore(%dma_start3A_380 : memref<!tpu.dma_semaphore, #tpu.memory_space<semaphore_mem>>)
      } else {
      }
      %mul3A_349 = arith.constant 128 : i32
      %mul3A_350 = arith.muli %add3A_316, %mul3A_349 : i32
      %add3A_351 = arith.addi %mul3A_2, %mul3A_350 : i32
      %dma_start3A_352 = arith.constant 3 : i32
      %dma_start3A_353 = arith.constant 3 : i32
      %dma_start3A_354 = arith.constant 0 : i32
      %dma_start3A_355 = arith.constant 0 : i32
      %dma_start3A_356 = tpu.memref_slice %arg6[%dma_start3A_352, %dma_start3A_354, %dma_start3A_355] : memref<4x128x128xf32, #tpu.memory_space<vmem>> -> memref<1x128x128xf32, #tpu.memory_space<vmem>>
      %dma_start3A_357 = tpu.memref_squeeze %dma_start3A_356 : memref<1x128x128xf32, #tpu.memory_space<vmem>> -> memref<128x128xf32, #tpu.memory_space<vmem>>
      %dma_start3A_358 = arith.constant 0 : i32
      %dma_start3A_359 = tpu.memref_slice %arg4[%add3A_351, %dma_start3A_358] : memref<819200x128xf32, #tpu.memory_space<hbm>> -> memref<128x128xf32, #tpu.memory_space<hbm>>
      %dma_start3A_360 = tpu.memref_slice %arg9[%dma_start3A_353] : memref<4x!tpu.dma_semaphore, #tpu.memory_space<semaphore_mem>> -> memref<1x!tpu.dma_semaphore, #tpu.memory_space<semaphore_mem>>
      %dma_start3A_361 = tpu.memref_squeeze %dma_start3A_360 : memref<1x!tpu.dma_semaphore, #tpu.memory_space<semaphore_mem>> -> memref<!tpu.dma_semaphore, #tpu.memory_space<semaphore_mem>>
      %dma_start3A_362 = arith.constant 0 : i32
      %dma_start3A_363 = tpu.memref_slice %arg4[%add3A_351, %dma_start3A_362] : memref<819200x128xf32, #tpu.memory_space<hbm>> -> memref<128x128xf32, #tpu.memory_space<hbm>>
      %dma_start3A_364 = arith.constant 0 : i32
      %dma_start3A_365 = arith.constant 0 : i32
      %dma_start3A_366 = tpu.memref_slice %arg6[%dma_start3A_352, %dma_start3A_364, %dma_start3A_365] : memref<4x128x128xf32, #tpu.memory_space<vmem>> -> memref<1x128x128xf32, #tpu.memory_space<vmem>>
      %dma_start3A_367 = tpu.memref_squeeze %dma_start3A_366 : memref<1x128x128xf32, #tpu.memory_space<vmem>> -> memref<128x128xf32, #tpu.memory_space<vmem>>
      tpu.enqueue_dma source(%dma_start3A_367 : memref<128x128xf32, #tpu.memory_space<vmem>>) target(%dma_start3A_363 : memref<128x128xf32, #tpu.memory_space<hbm>>) target_semaphore(%dma_start3A_361 : memref<!tpu.dma_semaphore, #tpu.memory_space<semaphore_mem>>)
    }
    %scan3A_77 = arith.constant 50 : i32
    %dma_wait3A_78 = arith.constant 0 : i32
    %dma_wait3A_79 = arith.constant 0 : i32
    %dma_wait3A_80 = arith.constant 0 : i32
    %dma_wait3A_81 = arith.constant 0 : i32
    %dma_wait3A_82 = tpu.memref_slice %arg6[%dma_wait3A_78, %dma_wait3A_80, %dma_wait3A_81] : memref<4x128x128xf32, #tpu.memory_space<vmem>> -> memref<1x128x128xf32, #tpu.memory_space<vmem>>
    %dma_wait3A_83 = tpu.memref_squeeze %dma_wait3A_82 : memref<1x128x128xf32, #tpu.memory_space<vmem>> -> memref<128x128xf32, #tpu.memory_space<vmem>>
    %dma_wait3A_84 = arith.constant 0 : i32
    %dma_wait3A_85 = arith.constant 0 : i32
    %dma_wait3A_86 = tpu.memref_slice %arg4[%dma_wait3A_84, %dma_wait3A_85] : memref<819200x128xf32, #tpu.memory_space<hbm>> -> memref<128x128xf32, #tpu.memory_space<hbm>>
    %dma_wait3A_87 = tpu.memref_slice %arg9[%dma_wait3A_79] : memref<4x!tpu.dma_semaphore, #tpu.memory_space<semaphore_mem>> -> memref<1x!tpu.dma_semaphore, #tpu.memory_space<semaphore_mem>>
    %dma_wait3A_88 = tpu.memref_squeeze %dma_wait3A_87 : memref<1x!tpu.dma_semaphore, #tpu.memory_space<semaphore_mem>> -> memref<!tpu.dma_semaphore, #tpu.memory_space<semaphore_mem>>
    %dma_wait3A_89 = arith.constant 0 : i32
    %dma_wait3A_90 = arith.constant 0 : i32
    %dma_wait3A_91 = tpu.memref_slice %arg4[%dma_wait3A_89, %dma_wait3A_90] : memref<819200x128xf32, #tpu.memory_space<hbm>> -> memref<128x128xf32, #tpu.memory_space<hbm>>
    %dma_wait3A_92 = arith.constant 0 : i32
    %dma_wait3A_93 = arith.constant 0 : i32
    %dma_wait3A_94 = tpu.memref_slice %arg6[%dma_wait3A_78, %dma_wait3A_92, %dma_wait3A_93] : memref<4x128x128xf32, #tpu.memory_space<vmem>> -> memref<1x128x128xf32, #tpu.memory_space<vmem>>
    %dma_wait3A_95 = tpu.memref_squeeze %dma_wait3A_94 : memref<1x128x128xf32, #tpu.memory_space<vmem>> -> memref<128x128xf32, #tpu.memory_space<vmem>>
    tpu.wait_dma2 semaphore(%dma_wait3A_88 : memref<!tpu.dma_semaphore, #tpu.memory_space<semaphore_mem>>) src(%dma_wait3A_95 : memref<128x128xf32, #tpu.memory_space<vmem>>) dst(%dma_wait3A_91 : memref<128x128xf32, #tpu.memory_space<hbm>>)
    %dma_wait3A_96 = arith.constant 1 : i32
    %dma_wait3A_97 = arith.constant 1 : i32
    %dma_wait3A_98 = arith.constant 0 : i32
    %dma_wait3A_99 = arith.constant 0 : i32
    %dma_wait3A_100 = tpu.memref_slice %arg6[%dma_wait3A_96, %dma_wait3A_98, %dma_wait3A_99] : memref<4x128x128xf32, #tpu.memory_space<vmem>> -> memref<1x128x128xf32, #tpu.memory_space<vmem>>
    %dma_wait3A_101 = tpu.memref_squeeze %dma_wait3A_100 : memref<1x128x128xf32, #tpu.memory_space<vmem>> -> memref<128x128xf32, #tpu.memory_space<vmem>>
    %dma_wait3A_102 = arith.constant 0 : i32
    %dma_wait3A_103 = arith.constant 0 : i32
    %dma_wait3A_104 = tpu.memref_slice %arg4[%dma_wait3A_102, %dma_wait3A_103] : memref<819200x128xf32, #tpu.memory_space<hbm>> -> memref<128x128xf32, #tpu.memory_space<hbm>>
    %dma_wait3A_105 = tpu.memref_slice %arg9[%dma_wait3A_97] : memref<4x!tpu.dma_semaphore, #tpu.memory_space<semaphore_mem>> -> memref<1x!tpu.dma_semaphore, #tpu.memory_space<semaphore_mem>>
    %dma_wait3A_106 = tpu.memref_squeeze %dma_wait3A_105 : memref<1x!tpu.dma_semaphore, #tpu.memory_space<semaphore_mem>> -> memref<!tpu.dma_semaphore, #tpu.memory_space<semaphore_mem>>
    %dma_wait3A_107 = arith.constant 0 : i32
    %dma_wait3A_108 = arith.constant 0 : i32
    %dma_wait3A_109 = tpu.memref_slice %arg4[%dma_wait3A_107, %dma_wait3A_108] : memref<819200x128xf32, #tpu.memory_space<hbm>> -> memref<128x128xf32, #tpu.memory_space<hbm>>
    %dma_wait3A_110 = arith.constant 0 : i32
    %dma_wait3A_111 = arith.constant 0 : i32
    %dma_wait3A_112 = tpu.memref_slice %arg6[%dma_wait3A_96, %dma_wait3A_110, %dma_wait3A_111] : memref<4x128x128xf32, #tpu.memory_space<vmem>> -> memref<1x128x128xf32, #tpu.memory_space<vmem>>
    %dma_wait3A_113 = tpu.memref_squeeze %dma_wait3A_112 : memref<1x128x128xf32, #tpu.memory_space<vmem>> -> memref<128x128xf32, #tpu.memory_space<vmem>>
    tpu.wait_dma2 semaphore(%dma_wait3A_106 : memref<!tpu.dma_semaphore, #tpu.memory_space<semaphore_mem>>) src(%dma_wait3A_113 : memref<128x128xf32, #tpu.memory_space<vmem>>) dst(%dma_wait3A_109 : memref<128x128xf32, #tpu.memory_space<hbm>>)
    %dma_wait3A_114 = arith.constant 2 : i32
    %dma_wait3A_115 = arith.constant 2 : i32
    %dma_wait3A_116 = arith.constant 0 : i32
    %dma_wait3A_117 = arith.constant 0 : i32
    %dma_wait3A_118 = tpu.memref_slice %arg6[%dma_wait3A_114, %dma_wait3A_116, %dma_wait3A_117] : memref<4x128x128xf32, #tpu.memory_space<vmem>> -> memref<1x128x128xf32, #tpu.memory_space<vmem>>
    %dma_wait3A_119 = tpu.memref_squeeze %dma_wait3A_118 : memref<1x128x128xf32, #tpu.memory_space<vmem>> -> memref<128x128xf32, #tpu.memory_space<vmem>>
    %dma_wait3A_120 = arith.constant 0 : i32
    %dma_wait3A_121 = arith.constant 0 : i32
    %dma_wait3A_122 = tpu.memref_slice %arg4[%dma_wait3A_120, %dma_wait3A_121] : memref<819200x128xf32, #tpu.memory_space<hbm>> -> memref<128x128xf32, #tpu.memory_space<hbm>>
    %dma_wait3A_123 = tpu.memref_slice %arg9[%dma_wait3A_115] : memref<4x!tpu.dma_semaphore, #tpu.memory_space<semaphore_mem>> -> memref<1x!tpu.dma_semaphore, #tpu.memory_space<semaphore_mem>>
    %dma_wait3A_124 = tpu.memref_squeeze %dma_wait3A_123 : memref<1x!tpu.dma_semaphore, #tpu.memory_space<semaphore_mem>> -> memref<!tpu.dma_semaphore, #tpu.memory_space<semaphore_mem>>
    %dma_wait3A_125 = arith.constant 0 : i32
    %dma_wait3A_126 = arith.constant 0 : i32
    %dma_wait3A_127 = tpu.memref_slice %arg4[%dma_wait3A_125, %dma_wait3A_126] : memref<819200x128xf32, #tpu.memory_space<hbm>> -> memref<128x128xf32, #tpu.memory_space<hbm>>
    %dma_wait3A_128 = arith.constant 0 : i32
    %dma_wait3A_129 = arith.constant 0 : i32
    %dma_wait3A_130 = tpu.memref_slice %arg6[%dma_wait3A_114, %dma_wait3A_128, %dma_wait3A_129] : memref<4x128x128xf32, #tpu.memory_space<vmem>> -> memref<1x128x128xf32, #tpu.memory_space<vmem>>
    %dma_wait3A_131 = tpu.memref_squeeze %dma_wait3A_130 : memref<1x128x128xf32, #tpu.memory_space<vmem>> -> memref<128x128xf32, #tpu.memory_space<vmem>>
    tpu.wait_dma2 semaphore(%dma_wait3A_124 : memref<!tpu.dma_semaphore, #tpu.memory_space<semaphore_mem>>) src(%dma_wait3A_131 : memref<128x128xf32, #tpu.memory_space<vmem>>) dst(%dma_wait3A_127 : memref<128x128xf32, #tpu.memory_space<hbm>>)
    %dma_wait3A_132 = arith.constant 3 : i32
    %dma_wait3A_133 = arith.constant 3 : i32
    %dma_wait3A_134 = arith.constant 0 : i32
    %dma_wait3A_135 = arith.constant 0 : i32
    %dma_wait3A_136 = tpu.memref_slice %arg6[%dma_wait3A_132, %dma_wait3A_134, %dma_wait3A_135] : memref<4x128x128xf32, #tpu.memory_space<vmem>> -> memref<1x128x128xf32, #tpu.memory_space<vmem>>
    %dma_wait3A_137 = tpu.memref_squeeze %dma_wait3A_136 : memref<1x128x128xf32, #tpu.memory_space<vmem>> -> memref<128x128xf32, #tpu.memory_space<vmem>>
    %dma_wait3A_138 = arith.constant 0 : i32
    %dma_wait3A_139 = arith.constant 0 : i32
    %dma_wait3A_140 = tpu.memref_slice %arg4[%dma_wait3A_138, %dma_wait3A_139] : memref<819200x128xf32, #tpu.memory_space<hbm>> -> memref<128x128xf32, #tpu.memory_space<hbm>>
    %dma_wait3A_141 = tpu.memref_slice %arg9[%dma_wait3A_133] : memref<4x!tpu.dma_semaphore, #tpu.memory_space<semaphore_mem>> -> memref<1x!tpu.dma_semaphore, #tpu.memory_space<semaphore_mem>>
    %dma_wait3A_142 = tpu.memref_squeeze %dma_wait3A_141 : memref<1x!tpu.dma_semaphore, #tpu.memory_space<semaphore_mem>> -> memref<!tpu.dma_semaphore, #tpu.memory_space<semaphore_mem>>
    %dma_wait3A_143 = arith.constant 0 : i32
    %dma_wait3A_144 = arith.constant 0 : i32
    %dma_wait3A_145 = tpu.memref_slice %arg4[%dma_wait3A_143, %dma_wait3A_144] : memref<819200x128xf32, #tpu.memory_space<hbm>> -> memref<128x128xf32, #tpu.memory_space<hbm>>
    %dma_wait3A_146 = arith.constant 0 : i32
    %dma_wait3A_147 = arith.constant 0 : i32
    %dma_wait3A_148 = tpu.memref_slice %arg6[%dma_wait3A_132, %dma_wait3A_146, %dma_wait3A_147] : memref<4x128x128xf32, #tpu.memory_space<vmem>> -> memref<1x128x128xf32, #tpu.memory_space<vmem>>
    %dma_wait3A_149 = tpu.memref_squeeze %dma_wait3A_148 : memref<1x128x128xf32, #tpu.memory_space<vmem>> -> memref<128x128xf32, #tpu.memory_space<vmem>>
    tpu.wait_dma2 semaphore(%dma_wait3A_142 : memref<!tpu.dma_semaphore, #tpu.memory_space<semaphore_mem>>) src(%dma_wait3A_149 : memref<128x128xf32, #tpu.memory_space<vmem>>) dst(%dma_wait3A_145 : memref<128x128xf32, #tpu.memory_space<hbm>>)
    return
  }
}

module attributes {stable_mosaic.version = 14 : i64} {
  func.func @_combine_body(%arg0: i32, %arg1: memref<4096x128xf32, #tpu.memory_space<vmem>>, %arg2: memref<1x3x4096xi32, #tpu.memory_space<vmem>>, %arg3: memref<32x128xf32, #tpu.memory_space<vmem>>, %arg4: memref<1x1xf32, #tpu.memory_space<vmem>>, %arg5: memref<4096x128xf32, #tpu.memory_space<vmem>>) attributes {dimension_semantics = [#tpu.dimension_semantics<arbitrary>], iteration_bounds = array<i64: 200>, scalar_prefetch = 0 : i64, scratch_operands = 0 : i64, tpu.core_type = #tpu.core_type<tc>, window_params = [{transform_indices = @transform_0, window_bounds = array<i64: 4096, 128>}, {transform_indices = @transform_1, window_bounds = array<i64: 1, 3, 4096>}, {pipeline_mode = #tpu.pipeline_mode<synchronous>, transform_indices = @transform_2, window_bounds = array<i64: 32, 128>}, {pipeline_mode = #tpu.pipeline_mode<synchronous>, transform_indices = @transform_3, window_bounds = array<i64: 1, 1>}, {transform_indices = @transform_4, window_bounds = array<i64: 4096, 128>}]} {
    %get3A = arith.constant 0 : index
    %get3A_0 = arith.constant 0 : index
    %get3A_1 = arith.constant 0 : index
    %get3A_2 = vector.load %arg2[%get3A, %get3A_0, %get3A_1] : memref<1x3x4096xi32, #tpu.memory_space<vmem>>, vector<1x1x4096xi32>
    %get3A_3 = vector.shape_cast %get3A_2 : vector<1x1x4096xi32> to vector<1x4096xi32>
    %get3A_4 = arith.constant 0 : index
    %get3A_5 = arith.constant 1 : index
    %get3A_6 = arith.constant 0 : index
    %get3A_7 = vector.load %arg2[%get3A_4, %get3A_5, %get3A_6] : memref<1x3x4096xi32, #tpu.memory_space<vmem>>, vector<1x1x4096xi32>
    %get3A_8 = vector.shape_cast %get3A_7 : vector<1x1x4096xi32> to vector<1x4096xi32>
    %get3A_9 = arith.constant 0 : index
    %get3A_10 = arith.constant 2 : index
    %get3A_11 = arith.constant 0 : index
    %get3A_12 = vector.load %arg2[%get3A_9, %get3A_10, %get3A_11] : memref<1x3x4096xi32, #tpu.memory_space<vmem>>, vector<1x1x4096xi32>
    %get3A_13 = vector.shape_cast %get3A_12 : vector<1x1x4096xi32> to vector<1x4096xi32>
    %bitcast_convert_type3A = tpu.bitcast %get3A_13 : vector<1x4096xi32> -> vector<1x4096xf32>
    %shift_right_arithmetic3A = arith.constant 1 : i32
    %shift_right_arithmetic3A_14 = vector.broadcast %shift_right_arithmetic3A : i32 to vector<1x4096xi32>
    %shift_right_arithmetic3A_15 = arith.shrsi %get3A_8, %shift_right_arithmetic3A_14 : vector<1x4096xi32>
    %and3A = arith.constant 1 : i32
    %and3A_16 = vector.broadcast %and3A : i32 to vector<1x4096xi32>
    %and3A_17 = arith.andi %shift_right_arithmetic3A_15, %and3A_16 : vector<1x4096xi32>
    %convert_element_type3A = arith.sitofp %and3A_17 : vector<1x4096xi32> to vector<1x4096xf32>
    %shift_right_arithmetic3A_18 = arith.constant 2 : i32
    %shift_right_arithmetic3A_19 = vector.broadcast %shift_right_arithmetic3A_18 : i32 to vector<1x4096xi32>
    %shift_right_arithmetic3A_20 = arith.shrsi %get3A_8, %shift_right_arithmetic3A_19 : vector<1x4096xi32>
    %and3A_21 = arith.constant 1 : i32
    %and3A_22 = vector.broadcast %and3A_21 : i32 to vector<1x4096xi32>
    %and3A_23 = arith.andi %shift_right_arithmetic3A_20, %and3A_22 : vector<1x4096xi32>
    %convert_element_type3A_24 = arith.sitofp %and3A_23 : vector<1x4096xi32> to vector<1x4096xf32>
    %mul3A = arith.mulf %bitcast_convert_type3A, %convert_element_type3A_24 : vector<1x4096xf32>
    %iota3A = tpu.iota {dimensions = array<i32: 0>} : vector<32x4096xi32>
    %eq3A = vector.broadcast %get3A_3 : vector<1x4096xi32> to vector<32x4096xi32>
    %eq3A_25 = arith.cmpi eq, %iota3A, %eq3A : vector<32x4096xi32>
    %jit3A = arith.constant 0.000000e+00 : f32
    %broadcast_in_dim3A = vector.shape_cast %convert_element_type3A : vector<1x4096xf32> to vector<1x4096xf32>
    %broadcast_in_dim3A_26 = vector.broadcast %broadcast_in_dim3A : vector<1x4096xf32> to vector<32x4096xf32>
    %broadcast_in_dim3A_27 = vector.broadcast %jit3A : f32 to vector<32x4096xf32>
    %select_n3A = arith.select %eq3A_25, %broadcast_in_dim3A_26, %broadcast_in_dim3A_27 : vector<32x4096xi1>, vector<32x4096xf32>
    %eq3A_28 = arith.constant 16 : i32
    %eq3A_29 = vector.broadcast %eq3A_28 : i32 to vector<32x4096xi32>
    %eq3A_30 = arith.cmpi eq, %iota3A, %eq3A_29 : vector<32x4096xi32>
    %broadcast_in_dim3A_31 = vector.shape_cast %mul3A : vector<1x4096xf32> to vector<1x4096xf32>
    %broadcast_in_dim3A_32 = vector.broadcast %broadcast_in_dim3A_31 : vector<1x4096xf32> to vector<32x4096xf32>
    %select_n3A_33 = arith.select %eq3A_30, %broadcast_in_dim3A_32, %select_n3A : vector<32x4096xi1>, vector<32x4096xf32>
    %get3A_34 = arith.constant 0 : index
    %get3A_35 = arith.constant 0 : index
    %get3A_36 = vector.load %arg3[%get3A_34, %get3A_35] : memref<32x128xf32, #tpu.memory_space<vmem>>, vector<32x128xf32>
    %dot_general3A = arith.constant dense<0.000000e+00> : vector<4096x128xf32>
    %dot_general3A_37 = tpu.matmul %select_n3A_33, %get3A_36, %dot_general3A {dimension_numbers = #tpu.dot_dimension_numbers<[0], [0], [1], [1], [0, 1, 1, 1], [], []>, transpose_lhs_hint = false} : vector<32x4096xf32>, vector<32x128xf32>, vector<4096x128xf32> -> vector<4096x128xf32>
    %and3A_38 = arith.constant 1 : i32
    %and3A_39 = vector.broadcast %and3A_38 : i32 to vector<1x4096xi32>
    %and3A_40 = arith.andi %get3A_8, %and3A_39 : vector<1x4096xi32>
    %convert_element_type3A_41 = arith.sitofp %and3A_40 : vector<1x4096xi32> to vector<1x4096xf32>
    %get3A_42 = arith.constant 0 : index
    %get3A_43 = arith.constant 0 : index
    %get3A_44 = vector.load %arg4[%get3A_42, %get3A_43] : memref<1x1xf32, #tpu.memory_space<vmem>>, vector<1x1xf32>
    %dot_general3A_45 = arith.constant dense<0.000000e+00> : vector<4096x1xf32>
    %dot_general3A_46 = tpu.matmul %convert_element_type3A_41, %get3A_44, %dot_general3A_45 {dimension_numbers = #tpu.dot_dimension_numbers<[0], [0], [1], [1], [0, 1, 1, 1], [], []>, transpose_lhs_hint = false} : vector<1x4096xf32>, vector<1x1xf32>, vector<4096x1xf32> -> vector<4096x1xf32>
    %get3A_47 = arith.constant 0 : index
    %get3A_48 = arith.constant 0 : index
    %get3A_49 = vector.load %arg1[%get3A_47, %get3A_48] : memref<4096x128xf32, #tpu.memory_space<vmem>>, vector<4096x128xf32>
    %mul3A_50 = vector.broadcast %dot_general3A_46 : vector<4096x1xf32> to vector<4096x128xf32>
    %mul3A_51 = arith.mulf %get3A_49, %mul3A_50 : vector<4096x128xf32>
    %add3A = arith.addf %mul3A_51, %dot_general3A_37 : vector<4096x128xf32>
    %swap3A = arith.constant 0 : index
    %swap3A_52 = arith.constant 0 : index
    %swap3A_53 = vector.load %arg5[%swap3A, %swap3A_52] : memref<4096x128xf32, #tpu.memory_space<vmem>>, vector<4096x128xf32>
    tpu.vector_store %arg5[%swap3A, %swap3A_52], %add3A {strides = array<i32>} : memref<4096x128xf32, #tpu.memory_space<vmem>>, vector<4096x128xf32>,
    return
  }
  func.func @transform_0(%arg0: i32) -> (i32, i32) {
    %c0_i32 = arith.constant 0 : i32
    %c0_i32_0 = arith.constant 0 : i32
    return %arg0, %c0_i32 : i32, i32
  }
  func.func @transform_1(%arg0: i32) -> (i32, i32, i32) {
    %c0_i32 = arith.constant 0 : i32
    %c0_i32_0 = arith.constant 0 : i32
    %c0_i32_1 = arith.constant 0 : i32
    return %arg0, %c0_i32, %c0_i32_0 : i32, i32, i32
  }
  func.func @transform_2(%arg0: i32) -> (i32, i32) {
    %c0_i32 = arith.constant 0 : i32
    %c0_i32_0 = arith.constant 0 : i32
    %c0_i32_1 = arith.constant 0 : i32
    return %c0_i32, %c0_i32_0 : i32, i32
  }
  func.func @transform_3(%arg0: i32) -> (i32, i32) {
    %c0_i32 = arith.constant 0 : i32
    %c0_i32_0 = arith.constant 0 : i32
    %c0_i32_1 = arith.constant 0 : i32
    return %c0_i32, %c0_i32_0 : i32, i32
  }
  func.func @transform_4(%arg0: i32) -> (i32, i32) {
    %c0_i32 = arith.constant 0 : i32
    %c0_i32_0 = arith.constant 0 : i32
    return %arg0, %c0_i32 : i32, i32
  }
}

</mosaic_0001>

<sc_bundles>
// kernel: kernel.4.cloned.1.call-start
scs
__scs_entry_jumppad:
0x0: {  	(pc) =	sbr.rel $0x88, $3  }
0x1: {  	(tag) =	ssettag $0x0;
	lr =	simm.s32 $0x1  }
0x2: {  	[smem:$0x3F9A] =	sst lr;
	_ =	strace $0xD0000000  }
0x3: {  	_ = 	snop  }
0x4: {  	_ = 	snop  }
0x5: {  	_ = 	snop  }
0x6: {  	_ = 	snop  }
0x7: {  	_ = 	snop  }
__scs_overlays_trampoline_lowered:
0x8: {  	[smem:$0x3FA9] =	sst s0  }
0x9: {  	[smem:$0x3FAA] =	sst s1  }
0xa: {  	[smem:$0x3FAB] =	sst s2  }
0xb: {  	[smem:$0x3FAC] =	sst s3  }
0xc: {  	[smem:$0x3FAD] =	sst s4  }
0xd: {  	[smem:$0x3FAE] =	sst s5  }
0xe: {  	[smem:$0x3FAF] =	sst s6  }
0xf: {  	[smem:$0x3FB0] =	sst s7  }
0x10: {  	[smem:$0x3FB1] =	sst s8  }
0x11: {  	[smem:$0x3FB2] =	sst s9;
	s0 =	simm.s32 @!p0 $0x0  }
0x12: {  	s1 =	sld [smem:$0x3F98];
	s0 =	simm.s32 @p0 $0x1  }
0x13: {  	[smem:$0x3FB3] =	sst s0;
	s0 =	simm.s32 @!p1 $0x0  }
0x14: {  	s2 =	sld [smem:$0x3F97];
	s0 =	simm.s32 @p1 $0x1  }
0x15: {  	[smem:$0x3FB4] =	sst s0;
	s0 =	simm.s32 @!p2 $0x0  }
0x16: {  	s3 =	sld [smem:$0x3FDB];
	s0 =	simm.s32 @p2 $0x1  }
0x17: {  	s4 =	simm.s32 $0x1BF5;
	[smem:$0x3FB6] =	sst s0  }
0x18: {  	s0 =	sld [smem:$0x3F99];
	_ =	swait.ge [sflag:s4], $0x0  }
0x19: {  	s7 =	sld [smem:$0x3F9A]  }
0x1a: {  	s8 =	sadd.s32 $0xFFFFE003, lr  }
0x1b: {  	s9 =	sadd.s32 $0xFFFFFEF7, lr;
	s5 =	simm.s32 $0xFFFFFFFF;
	p2 =	slt.u32 s8, $0xFFFFF086  }
0x1c: {  	p1 =	slt.u32 s9, $0xF7A;
	s5 =	simm.s32 @!p2 $0x0  }
0x1d: {  	s5 =	simm.s32 @p1 $0x1;
	p0 =	seq.s32 s7, s2  }
0x1e: {  	s7 =	smul.u32 @!p0 $0xF7A, s2;
	p2 =	seq.s32 @!p0 s5, $0x0  }
0x1f: {  	s9 =	smul.u32 $0xF7A, s1;
	s8 =	simm.s32 @!p0 $0x1BF5;
	p2 =	por !p2, p0  }
0x20: {  	[sflag:s8] =	ssyncset.s32 @!p0 $0xFFFFF086;
	s6 =	sadd.s32 @!p0 s3, s7;
	s7 =	simm.s32 @!p0 $0x108  }
0x21: {  	s3 =	sadd.s32 s3, s9;
	s6 =	sadd.s32 @!p0 $0x88, s6;
	s7 =	simm.s32 @p2 $0x1082  }
0x22: {  	[simem:s7], [sflag:s8] =	dma.local @!p0 [hbm:s6], $0xF7A  }
0x23: {  	s9 =	sor.u32 $0xD0000000, s2;
	s6 =	simm.s32 $0x108;
	_ =	swait.ge @!p0 [sflag:s8], $0x0  }
0x24: {  	s3 =	sadd.s32 $0x88, s3;
	s6 =	simm.s32 @!p1 $0x1082;
	[sflag:s4] =	ssyncset.s32 $0xFFFFF086  }
0x25: {  	[simem:s6], [sflag:s4] =	dma.local [hbm:s3], $0xF7A  }
0x26: {  	[smem:$0x3F9A] =	sst s1;
	(tag) =	ssettag s2;
	_ =	strace s9  }
0x27: {  	s1 =	sld [smem:$0x3FAA]  }
0x28: {  	s2 =	sld [smem:$0x3FAB]  }
0x29: {  	s4 =	sld [smem:$0x3FAD]  }
0x2a: {  	p0 =	seq.s32 s5, $0x0;
	s5 =	sld [smem:$0x3FAE]  }
0x2b: {  	s6 =	sld [smem:$0x3FAF]  }
0x2c: {  	s7 =	sld [smem:$0x3FB0]  }
0x2d: {  	s3 =	simm.s32 $0x108;
	s8 =	sld [smem:$0x3FB1]  }
0x2e: {  	s3 =	simm.s32 @!p0 $0x1082;
	s9 =	sld [smem:$0x3FB2]  }
0x2f: {  	lr =	sadd.s32 s0, s3;
	s0 =	sld [smem:$0x3FA9]  }
0x30: {  	s3 =	sld [smem:$0x3FAC]  }
0x31: {  	[smem:$0x3FB5] =	sst s10  }
0x32: {  	s10 =	sld [smem:$0x3FB3];
	_ =	sdelay $0x3  }
0x33: {  	p0 =	seq.s32 s10, $0x1;
	s10 =	sld [smem:$0x3FB5];
	_ =	sdelay $0x3  }
0x34: {  	[smem:$0x3FB5] =	sst s10  }
0x35: {  	s10 =	sld [smem:$0x3FB4];
	_ =	sdelay $0x3  }
0x36: {  	p1 =	seq.s32 s10, $0x1;
	s10 =	sld [smem:$0x3FB5];
	_ =	sdelay $0x3  }
0x37: {  	[smem:$0x3FB5] =	sst s10  }
0x38: {  	s10 =	sld [smem:$0x3FB6]  }
0x39: {  	_ = 	snop;
	(pc) =	sbr.ind lr, $3  }
0x3a: {  	_ = 	snop  }
0x3b: {  	_ = 	snop  }
0x3c: {  	p2 =	seq.s32 s10, $0x1;
	s10 =	sld [smem:$0x3FB5]  }
0x3d: {  	_ =	shalt  }
0x3e: {  	_ =	shalt  }
0x3f: {  	_ =	shalt  }
0x40: {  	_ =	shalt  }
0x41: {  	_ =	shalt  }
0x42: {  	_ =	shalt  }
0x43: {  	_ =	shalt  }
0x44: {  	_ =	shalt  }
0x45: {  	_ =	shalt  }
0x46: {  	_ =	shalt  }
0x47: {  	_ =	shalt  }
0x48: {  	_ =	shalt  }
0x49: {  	_ =	shalt  }
0x4a: {  	_ =	shalt  }
0x4b: {  	_ =	shalt  }
0x4c: {  	_ =	shalt  }
0x4d: {  	_ =	shalt  }
0x4e: {  	_ =	shalt  }
0x4f: {  	_ =	shalt  }
0x50: {  	_ =	shalt  }
0x51: {  	_ =	shalt  }
0x52: {  	_ =	shalt  }
0x53: {  	_ =	shalt  }
0x54: {  	_ =	shalt  }
0x55: {  	_ =	shalt  }
0x56: {  	_ =	shalt  }
0x57: {  	_ =	shalt  }
0x58: {  	_ =	shalt  }
0x59: {  	_ =	shalt  }
0x5a: {  	_ =	shalt  }
0x5b: {  	_ =	shalt  }
0x5c: {  	_ =	shalt  }
0x5d: {  	_ =	shalt  }
0x5e: {  	_ =	shalt  }
0x5f: {  	_ =	shalt  }
0x60: {  	_ =	shalt  }
0x61: {  	_ =	shalt  }
0x62: {  	_ =	shalt  }
0x63: {  	_ =	shalt  }
0x64: {  	_ =	shalt  }
0x65: {  	_ =	shalt  }
0x66: {  	_ =	shalt  }
0x67: {  	_ =	shalt  }
0x68: {  	_ =	shalt  }
0x69: {  	_ =	shalt  }
0x6a: {  	_ =	shalt  }
0x6b: {  	_ =	shalt  }
0x6c: {  	_ =	shalt  }
0x6d: {  	_ =	shalt  }
0x6e: {  	_ =	shalt  }
0x6f: {  	_ =	shalt  }
0x70: {  	_ =	shalt  }
0x71: {  	_ =	shalt  }
0x72: {  	_ =	shalt  }
0x73: {  	_ =	shalt  }
0x74: {  	_ =	shalt  }
0x75: {  	_ =	shalt  }
0x76: {  	_ =	shalt  }
0x77: {  	_ =	shalt  }
0x78: {  	_ =	shalt  }
0x79: {  	_ =	shalt  }
0x7a: {  	_ =	shalt  }
0x7b: {  	_ =	shalt  }
0x7c: {  	_ =	shalt  }
0x7d: {  	_ =	shalt  }
0x7e: {  	_ =	shalt  }
0x7f: {  	_ =	shalt  }
0x80: {  	_ =	shalt  }
0x81: {  	_ =	shalt  }
0x82: {  	_ =	shalt  }
0x83: {  	_ =	shalt  }
0x84: {  	_ =	shalt  }
0x85: {  	_ =	shalt  }
0x86: {  	_ =	shalt  }
0x87: {  	_ =	shalt  }
.Lfunc_end0:
.L_simem_size_0:
called_computation_lowered:
.L_overlay_start_0:
0x88: {  	s2 =	sld [smem:$0x3FD9]  }
0x89: {  	s3 =	sld [smem:$0x3FFE];
	_ =	sdelay $0x1  }
0x8a: {  	s1 =	srdreg.scid  }
0x8b: {  	s0 =	sand.u32 $0x1, s1  }
0x8c: {  	s17 =	sshll.u32 s0, $0xA;
	s2 =	sadd.s32 s3, s2  }
0x8d: {  	s2 =	sadd.s32 s2, s17  }
0x8e: {  	[smem:$0x3FC1] =	sst s2  }
0x8f: {  	_ = 	snop  }
0x90: {  	s2 =	sld [smem:$0x3FC5]  }
0x91: {  	s18 =	sld [smem:$0x3FD0];
	(tm) =	ssettm $0x1  }
0x92: {  	s4 =	sld [smem:$0x3FFB];
	_ =	sdelay $0x3  }
0x93: {  	_ =	strace s4  }
0x94: {  	s4 =	sld [smem:$0x3FFC];
	_ =	sdelay $0x3  }
0x95: {  	_ =	strace s4  }
0x96: {  	s4 =	sld [smem:$0x3FFD];
	_ =	sdelay $0x3  }
0x97: {  	_ =	strace s4  }
0x98: {  	_ =	strace $0x8FFFFFFF  }
0x99: {  	s19 =	sld [smem:$0x3FDB];
	_ =	sdelay $0x1  }
0x9a: {  	s5 =	simm.s32 $_scs_section_size  }
0x9b: {  	s6 =	simm.s32 $_size__tile_overlayer_lowered;
	s7 =	simm.s32 $_tile_overlayer_lowered  }
0x9c: {  	s22 =	simm.s32 $0x1BFF;
	s21 =	sshll.u32 s7, $0x1;
	s4 =	sadd.s32 s5, s19  }
0x9d: {  	s8 =	simm.s32 $0x0;
	s20 =	sshll.u32 s6, $0x1;
	s6 =	sadd.s32 s21, s4  }
0x9e: {  	[timem:s8], [sflag:s22] =	dma.local [hbm:s6], s20  }
0x9f: {  	_ =	swait.ge [sflag:s22], s20  }
0xa0: {  	s5 =	ssub.s32 $0x0, s20;
	[sflag:s22] =	ssyncset.done $0x0  }
0xa1: {  	[sflag:s22] =	ssyncadd.s32 s5;
	_ =	sdelay $0x1  }
0xa2: {  	s23 =	simm.s32 $0x1B8B  }
0xa3: {  	_ =	swait.ge [sflag:s23], $0x1  }
0xa4: {  	[sflag:s23] =	ssyncset.done $0x0  }
0xa5: {  	s25 =	simm.s32 $0x1B8E;
	s24 =	sld [smem:$0x3FFE];
	[sflag:s23] =	ssyncadd.s32 $0xFFFFFFFF  }
0xa6: {  	s26 =	simm.s32 $execute0_lowered;
	[smem:$0x3FD2] =	sst s25  }
0xa7: {  	s6 =	sshll.u32 s26, $0x1;
	_ =	strace $0x80000046;
	[dreg:$0x1] =	wrdreg $0xFFFFFFFF  }
0xa8: {  	s28 =	simm.s32 $_size_execute0_lowered;
	s4 =	sadd.s32 s4, s6;
	[dreg:$0x0] =	wrdreg $0x0  }
0xa9: {  	s6 =	sshll.u32 s28, $0x1;
	[dreg:$0x2] =	wrdreg s4  }
0xaa: {  	[dreg:$0x3] =	wrdreg s6  }
0xab: {  	[dreg:$0x4] =	wrdreg $0xC0  }
0xac: {  	_ =	task [dreg:s8], $0x5FFFF  }
0xad: {  	[dreg:$0x1] =	wrdreg $0xFFFFFFFF  }
0xae: {  	[dreg:$0x0] =	wrdreg $0x60  }
0xaf: {  	[dreg:$0x2] =	wrdreg s18  }
0xb0: {  	[dreg:$0x3] =	wrdreg s2  }
0xb1: {  	[dreg:$0x4] =	wrdreg s24  }
0xb2: {  	[dreg:$0x5] =	wrdreg $0x9  }
0xb3: {  	_ =	task.clear_ibuf [dreg:s8], $0x6FFFF;
	_ =	strace $0x90000046  }
0xb4: {  	s29 =	simm.s32 $0x9;
	_ =	strace $0x80000048  }
0xb5: {  	_ =	swait.ge [sflag:s29], $0x1  }
0xb6: {  	[sflag:s29] =	ssyncadd.s32 $0xFFFFFFFF  }
0xb7: {  	_ =	strace $0x90000048  }
0xb8: {  	_ =	sfence  }
0xb9: {  	s30 =	sld [smem:$0x0];
	_ =	sdelay $0x2  }
0xba: {  	s31 =	sshll.u32 s1, $0xD;
	s1 =	sshrl.u32 s1, $0x2  }
0xbb: {  	s3 =	sand.u32 $0x4000, s31;
	s1 =	sadd.s32 s1, s30  }
0xbc: {  	s0 =	sor.u32 s3, s0;
	s1 =	sshll.u32 s1, $0x11  }
0xbd: {  	s0 =	sor.u32 s1, s0  }
0xbe: {  	s0 =	sadd.s32 $0x8F2B, s0  }
0xbf: {  	[sflag:s0] =	ssyncadd.remote.s32 $0x1  }
0xc0: {  	_ =	sfence.sel $0xFFFF  }
0xc1: {  	[dreg:$0x0] =	wrdreg $0xFFFFFFFF;
	(pc) =	sbr.abs _section_cstart, $3  }
0xc2: {  	[dreg:$0x1] =	wrdreg $0xFFFFFFFF  }
0xc3: {  	_ =	task.clear_ibuf [dreg:s8], $0x2FFFF;
	_ =	strace $0x9FFFFFFF  }
0xc4: {  	(tm) =	ssettm $0x7FFFFFFF  }
0xc5: {  	_ =	shalt  }
tec
execute0_lowered:
.L_overlay_start_1:
0x0: {  	(tag) =	ssettag $0x1  }
0x1: {  	s1 =	rddreg [dreg:$0x0]  }
0x2: {  	s3 =	rddreg [dreg:$0x1];
	s0 =	srdreg.scid  }
0x3: {  	s11 =	stileid.u32;
	s2 =	rddreg [dreg:$0x2];
	s4 =	simm.s32 $0x0  }
0x4: {  	s13 =	simm.s32 $0x80;
	s15 =	simm.s32 $0x200;
	s16 =	simm.s32 $0x2  }
0x5: {  	s17 =	simm.s32 $0x4200;
	s30 =	simm.s32 $0x8200;
	s7 =	smul.u32 $0x640000, s11  }
0x6: {  	s31 =	simm.s32 $0x0;
	s0 =	sand.u32 $0x1, s0;
	s23 =	smul.u32 $0x1900, s11  }
0x7: {  	s5 =	sshll.u32 s11, $0x1;
	[smem:$0x7FF] =	sst s4;
	s9 =	smul.u32 $0x320000, s0  }
0x8: {  	s5 =	sor.u32 s0, s5;
	s8 =	ssub.s32 $0x2, s0;
	s0 =	smul.u32 $0xC80, s0  }
0x9: {  	s2 =	sadd.s32 $0xE00, s2;
	_ =	strace $0x80000047;
	s6 =	smul.u32 $0x320000, s5  }
0xa: {  	[dreg:$0x5] =	wrdreg s30;
	s10 =	sshrl.u32 s8, $0x1;
	s5 =	smul.u32 $0xC80, s5  }
0xb: {  	s8 =	ssub.s32 s8, s10;
	s7 =	sadd.s32 s9, s7;
	s10 =	sadd.s32 s0, s23  }
0xc: {  	s23 =	simm.s32 $0x4;
	s6 =	sshrl.u32 s6, $0x3;
	s18 =	sadd.s32 s1, s5  }
0xd: {  	s20 =	sor.u32 $0x4000, s7;
	s22 =	smax.u32 s8, $0x1;
	s24 =	sshrl.u32 s7, $0x3  }
0xe: {  	s25 =	sor.u32 $0xC000, s7;
	s7 =	sor.u32 $0x8000, s7;
	s6 =	sadd.s32 s2, s6  }
0xf: {  	[dreg:$0x6] =	wrdreg s18;
	s9 =	sadd.s32 $0x10, s18;
	s21 =	sshrl.u32 s20, $0x3  }
0x10: {  	[dreg:$0x8] =	wrdreg s22;
	s26 =	sshrl.u32 s25, $0x3;
	s29 =	sshrl.u32 s7, $0x3  }
0x11: {  	s18 =	simm.s32 $0x5;
	s19 =	sadd.s32 $0x63000, s6;
	[dreg:$0x7] =	wrdreg s9  }
0x12: {  	s20 =	simm.s32 $0x3;
	s5 =	sadd.s32 s21, s2;
	[dreg:$0x4] =	wrdreg s19  }
0x13: {  	s22 =	simm.s32 $0x180;
	s6 =	sadd.s32 s24, s2;
	[dreg:$0x9] =	wrdreg s5  }
0x14: {  	s25 =	simm.s32 $0x7;
	s28 =	sadd.s32 s26, s2;
	[dreg:$0xa] =	wrdreg s6  }
0x15: {  	s0 =	sadd.s32 s29, s2;
	s21 =	simm.s32 $0x6;
	[dreg:$0xb] =	wrdreg s28  }
0x16: {  	s24 =	simm.s32 $0xC200;
	[dreg:$0xc] =	wrdreg s0;
	s19 =	simm.s32 $0x100  }
.LBB2_1:
0x17: {  	s0 =	rddreg [dreg:$0x6]  }
0x18: {  	[tilespmem:s4], [sflag:$0x1] =	stream.linear.gather [hbm4b:s0+s4], $0x80, $0x38;
	[tilespmem:$0x10200] =	vst v63  }
0x19: {  	s11 =	rddreg [dreg:$0x7];
	s12 =	simm.s32 $0x1  }
0x1a: {  	[tilespmem:s13], [sflag:$0x2] =	stream.linear.gather [hbm4b:s11+s4], $0x80, $0x38;
	[tilespmem:$0x10200] =	vst v63  }
0x1b: {  	_ =	swait.ge [sflag:s12], $0x80  }
0x1c: {  	[sflag:s12] =	ssyncset.done $0x0  }
0x1d: {  	[sflag:s12] =	ssyncadd.s32 $0xFFFFFF80  }
0x1e: {  	[tilespmem:s15], [sflag:$0x5] =	stream.indirect.gather [hbm4b:s3+s13], $0x80, s4, s13, $0xb8;
	[tilespmem:$0x10200] =	vst v63  }
0x1f: {  	_ =	swait.ge [sflag:s16], $0x80  }
0x20: {  	p0 =	por $0x1, $0x1;
	[sflag:s16] =	ssyncset.done $0x0  }
0x21: {  	s0 =	simm.s32 @!p0 $0xA;
	[sflag:s16] =	ssyncadd.s32 $0xFFFFFF80  }
0x22: {  	_ =	swait.ge @!p0 [sflag:s0], $0x4000  }
0x23: {  	[sflag:s0] =	ssyncset.done @!p0 $0x0  }
0x24: {  	s2 =	sadd.s32 $0x50, s10;
	s6 =	simm.s32 $0x20;
	[sflag:s0] =	ssyncadd.s32 @!p0 $0xFFFFC000  }
0x25: {  	[tilespmem:s17], [sflag:$0x6] =	stream.indirect.gather [hbm4b:s3+s13], $0x80, s13, s13, $0xb8;
	[tilespmem:$0x10200] =	vst v63  }
0x26: {  	s14 =	sadd.s32 $0xFFFFFFB0, s2;
	s26 =	sand.u32 $0x60, s6;
	_ =	swait.ge [sflag:s18], $0x4000  }
0x27: {  	s2 =	sadd.s32 s1, s26;
	s0 =	sand.u32 $0xFFFFF80, s14;
	[sflag:s18] =	ssyncset.done $0x0  }
0x28: {  	s2 =	sadd.s32 s0, s2;
	[sflag:s18] =	ssyncadd.s32 $0xFFFFC000  }
0x29: {  	[tilespmem:s19], [sflag:$0x3] =	stream.linear.gather [hbm4b:s2+s4], $0x80, $0x38;
	[tilespmem:$0x10200] =	vst v63  }
0x2a: {  	s9 =	rddreg [dreg:$0xa]  }
0x2b: {  	[hbm4b:s9+s4] =	stream.linear.scatter [tilespmem:s15], [sflag:$0x9], $0x4000, $0x38;
	[tilespmem:$0x10200] =	vst v63  }
0x2c: {  	_ =	swait.ge [sflag:s20], $0x80  }
0x2d: {  	[sflag:s20] =	ssyncset.done $0x0  }
0x2e: {  	s2 =	simm.s32 @!p0 $0xB;
	[sflag:s20] =	ssyncadd.s32 $0xFFFFFF80  }
0x2f: {  	_ =	swait.ge @!p0 [sflag:s2], $0x4000  }
0x30: {  	[sflag:s2] =	ssyncset.done @!p0 $0x0  }
0x31: {  	s7 =	simm.s32 $0x30;
	s29 =	rddreg [dreg:$0x5];
	[sflag:s2] =	ssyncadd.s32 @!p0 $0xFFFFC000  }
0x32: {  	[tilespmem:s29], [sflag:$0x7] =	stream.indirect.gather [hbm4b:s3+s13], $0x80, s19, s13, $0xb8;
	[tilespmem:$0x10200] =	vst v63  }
0x33: {  	s30 =	sand.u32 $0x70, s7;
	_ =	swait.ge [sflag:s21], $0x4000  }
0x34: {  	s2 =	sadd.s32 s1, s30;
	[sflag:s21] =	ssyncset.done $0x0  }
0x35: {  	s0 =	sadd.s32 s0, s2;
	[sflag:s21] =	ssyncadd.s32 $0xFFFFC000  }
0x36: {  	[tilespmem:s22], [sflag:$0x4] =	stream.linear.gather [hbm4b:s0+s4], $0x80, $0x38;
	[tilespmem:$0x10200] =	vst v63  }
0x37: {  	s5 =	rddreg [dreg:$0x9]  }
0x38: {  	[hbm4b:s5+s4] =	stream.linear.scatter [tilespmem:s17], [sflag:$0xA], $0x4000, $0x38;
	[tilespmem:$0x10200] =	vst v63  }
0x39: {  	_ =	swait.ge [sflag:s23], $0x80  }
0x3a: {  	[sflag:s23] =	ssyncset.done $0x0  }
0x3b: {  	s0 =	simm.s32 @!p0 $0xC;
	[sflag:s23] =	ssyncadd.s32 $0xFFFFFF80  }
0x3c: {  	_ =	swait.ge @!p0 [sflag:s0], $0x4000  }
0x3d: {  	p1 =	por $0x1, $0x1;
	[sflag:s0] =	ssyncset.done @!p0 $0x0  }
0x3e: {  	s6 =	simm.s32 @p1 $0x40;
	s2 =	sadd.s32 @p1 $0x50, s10;
	[sflag:s0] =	ssyncadd.s32 @!p0 $0xFFFFC000  }
0x3f: {  	[tilespmem:s24], [sflag:$0x8] =	stream.indirect.gather [hbm4b:s3+s13], $0x80, s22, s13, $0xb8;
	[tilespmem:$0x10200] =	vst v63  }
0x40: {  	s6 =	sand.u32 @p1 $0x40, s6;
	s0 =	sadd.s32 @p1 $0xFFFFFFF0, s2;
	_ =	swait.ge [sflag:s25], $0x4000  }
0x41: {  	s6 =	sadd.s32 @p1 s1, s6;
	s0 =	sand.u32 @p1 $0xFFFFF80, s0;
	[sflag:s25] =	ssyncset.done $0x0  }
0x42: {  	s0 =	sadd.s32 @p1 s0, s6;
	s6 =	simm.s32 @p1 $0x0;
	[sflag:s25] =	ssyncadd.s32 $0xFFFFC000  }
0x43: {  	[tilespmem:s6], [sflag:$0x1] =	stream.linear.gather @p1 [hbm4b:s0+s6], $0x80, $0x38;
	[tilespmem:$0x10200] =	vst v63  }
0x44: {  	s7 =	simm.s32 @p1 $0x1;
	s12 =	rddreg [dreg:$0xc];
	s0 =	simm.s32 @p1 $0x8200  }
0x45: {  	[hbm4b:s12+s6] =	stream.linear.scatter @p1 [tilespmem:s0], [sflag:$0xB], $0x4000, $0x38;
	[tilespmem:$0x10200] =	vst v63  }
0x46: {  	_ =	swait.ge @p1 [sflag:s7], $0x80  }
0x47: {  	[sflag:s7] =	ssyncset.done @p1 $0x0  }
0x48: {  	s0 =	simm.s32 @p1 $0x9;
	[sflag:s7] =	ssyncadd.s32 @p1 $0xFFFFFF80  }
0x49: {  	s8 =	simm.s32 @p1 $0x80;
	s28 =	simm.s32 @!p1 $0x8;
	_ =	swait.ge @p1 [sflag:s0], $0x4000  }
0x4a: {  	s26 =	simm.s32 @p1 $0x8;
	s7 =	simm.s32 $0x50;
	[sflag:s0] =	ssyncset.done @p1 $0x0  }
0x4b: {  	s11 =	simm.s32 @p1 $0x200;
	[sflag:s0] =	ssyncadd.s32 @p1 $0xFFFFC000;
	s0 =	sand.u32 @p1 $0x50, s7  }
0x4c: {  	[tilespmem:s11], [sflag:$0x5] =	stream.indirect.gather @p1 [hbm4b:s3+s8], $0x80, s6, s8, $0xb8;
	[tilespmem:$0x10200] =	vst v63  }
0x4d: {  	s2 =	sand.u32 @p1 $0xFFFFF80, s2;
	s0 =	sadd.s32 @p1 s1, s0;
	_ =	swait.ge @p1 [sflag:s26], $0x4000  }
0x4e: {  	s0 =	sadd.s32 @p1 s2, s0;
	[sflag:s26] =	ssyncset.done @p1 $0x0;
	s2 =	rddreg [dreg:$0x4]  }
0x4f: {  	s7 =	sadd.s32 $0x2000, s12;
	s11 =	rddreg [dreg:$0xb];
	[sflag:s26] =	ssyncadd.s32 @p1 $0xFFFFC000  }
0x50: {  	[tilespmem:s8], [sflag:$0x2] =	stream.linear.gather @p1 [hbm4b:s0+s6], $0x80, $0x38;
	[tilespmem:$0x10200] =	vst v63  }
0x51: {  	s0 =	simm.s32 @!p1 $0x0;
	s6 =	simm.s32 @!p1 $0x8200;
	s8 =	smov.u32 s5  }
0x52: {  	[hbm4b:s2+s0] =	stream.linear.scatter @!p1 [tilespmem:s6], [sflag:$0xB], $0x4000, $0x38;
	[tilespmem:$0x10200] =	vst v63  }
0x53: {  	s2 =	simm.s32 $0x90;
	s0 =	sadd.s32 $0x2000, s9;
	s6 =	sadd.s32 $0x2000, s11  }
.LBB2_2:
0x54: {  	_ =	swait.ge @!p1 [sflag:s28], $0x4000  }
0x55: {  	[sflag:s28] =	ssyncset.done @!p1 $0x0  }
0x56: {  	[sflag:s28] =	ssyncadd.s32 @!p1 $0xFFFFC000  }
0x57: {  	[hbm4b:s11+s4] =	stream.linear.scatter [tilespmem:s24], [sflag:$0xC], $0x4000, $0x38;
	[tilespmem:$0x10200] =	vst v63  }
0x58: {  	s26 =	smov.u32 s2;
	_ =	swait.ge [sflag:s16], $0x80  }
0x59: {  	p2 =	seq.s32 s26, $0x50;
	[sflag:s16] =	ssyncset.done $0x0  }
0x5a: {  	s28 =	simm.s32 @!p2 $0xA;
	[sflag:s16] =	ssyncadd.s32 $0xFFFFFF80  }
0x5b: {  	_ =	swait.ge @!p2 [sflag:s28], $0x4000  }
0x5c: {  	[sflag:s28] =	ssyncset.done @!p2 $0x0  }
0x5d: {  	s29 =	sadd.s32 s26, s10;
	s30 =	sadd.s32 $0xFFFFFFD0, s26;
	[sflag:s28] =	ssyncadd.s32 @!p2 $0xFFFFC000  }
0x5e: {  	[tilespmem:s17], [sflag:$0x6] =	stream.indirect.gather [hbm4b:s3+s13], $0x80, s13, s13, $0xb8;
	[tilespmem:$0x10200] =	vst v63  }
0x5f: {  	s29 =	sadd.s32 $0xFFFFFFB0, s29;
	s30 =	sand.u32 $0x60, s30;
	_ =	swait.ge [sflag:s18], $0x4000  }
0x60: {  	s29 =	sand.u32 $0xFFFFF80, s29;
	s30 =	sadd.s32 s1, s30;
	[sflag:s18] =	ssyncset.done $0x0  }
0x61: {  	s28 =	sadd.s32 s29, s30;
	[sflag:s18] =	ssyncadd.s32 $0xFFFFC000  }
0x62: {  	[tilespmem:s19], [sflag:$0x3] =	stream.linear.gather [hbm4b:s28+s4], $0x80, $0x38;
	[tilespmem:$0x10200] =	vst v63  }
0x63: {  	_ = 	snop  }
0x64: {  	[hbm4b:s0+s4] =	stream.linear.scatter [tilespmem:s15], [sflag:$0x9], $0x4000, $0x38;
	[tilespmem:$0x10200] =	vst v63  }
0x65: {  	_ =	swait.ge [sflag:s20], $0x80  }
0x66: {  	[sflag:s20] =	ssyncset.done $0x0  }
0x67: {  	s28 =	simm.s32 @!p2 $0xB;
	[sflag:s20] =	ssyncadd.s32 $0xFFFFFF80  }
0x68: {  	_ =	swait.ge @!p2 [sflag:s28], $0x4000  }
0x69: {  	[sflag:s28] =	ssyncset.done @!p2 $0x0  }
0x6a: {  	s12 =	sadd.s32 $0xFFFFFFE0, s26;
	s14 =	rddreg [dreg:$0x5];
	[sflag:s28] =	ssyncadd.s32 @!p2 $0xFFFFC000  }
0x6b: {  	[tilespmem:s14], [sflag:$0x7] =	stream.indirect.gather [hbm4b:s3+s13], $0x80, s19, s13, $0xb8;
	[tilespmem:$0x10200] =	vst v63  }
0x6c: {  	s30 =	sand.u32 $0x70, s12;
	_ =	swait.ge [sflag:s21], $0x4000  }
0x6d: {  	s28 =	sadd.s32 s1, s30;
	[sflag:s21] =	ssyncset.done $0x0  }
0x6e: {  	s28 =	sadd.s32 s29, s28;
	[sflag:s21] =	ssyncadd.s32 $0xFFFFC000  }
0x6f: {  	[tilespmem:s22], [sflag:$0x4] =	stream.linear.gather [hbm4b:s28+s4], $0x80, $0x38;
	[tilespmem:$0x10200] =	vst v63  }
0x70: {  	s8 =	sadd.s32 $0x2000, s8  }
0x71: {  	[hbm4b:s8+s4] =	stream.linear.scatter [tilespmem:s17], [sflag:$0xA], $0x4000, $0x38;
	[tilespmem:$0x10200] =	vst v63  }
0x72: {  	_ =	swait.ge [sflag:s23], $0x80  }
0x73: {  	[sflag:s23] =	ssyncset.done $0x0  }
0x74: {  	s14 =	simm.s32 @!p2 $0xC;
	[sflag:s23] =	ssyncadd.s32 $0xFFFFFF80  }
0x75: {  	_ =	swait.ge @!p2 [sflag:s14], $0x4000  }
0x76: {  	p1 =	sne.s32 s26, $0xC90;
	[sflag:s14] =	ssyncset.done @!p2 $0x0  }
0x77: {  	s29 =	sadd.s32 @p1 $0xFFFFFFF0, s26;
	s28 =	sadd.s32 @p1 s26, s10;
	[sflag:s14] =	ssyncadd.s32 @!p2 $0xFFFFC000  }
0x78: {  	[tilespmem:s24], [sflag:$0x8] =	stream.indirect.gather [hbm4b:s3+s13], $0x80, s22, s13, $0xb8;
	[tilespmem:$0x10200] =	vst v63  }
0x79: {  	s29 =	sand.u32 @p1 $0x40, s29;
	s30 =	sadd.s32 @p1 $0xFFFFFFF0, s28;
	_ =	swait.ge [sflag:s25], $0x4000  }
0x7a: {  	s29 =	sadd.s32 @p1 s1, s29;
	s14 =	sand.u32 @p1 $0xFFFFF80, s30;
	[sflag:s25] =	ssyncset.done $0x0  }
0x7b: {  	s30 =	simm.s32 @p1 $0x0;
	s14 =	sadd.s32 @p1 s14, s29;
	[sflag:s25] =	ssyncadd.s32 $0xFFFFC000  }
0x7c: {  	[tilespmem:s30], [sflag:$0x1] =	stream.linear.gather @p1 [hbm4b:s14+s30], $0x80, $0x38;
	[tilespmem:$0x10200] =	vst v63  }
0x7d: {  	s9 =	simm.s32 @p1 $0x1;
	s29 =	simm.s32 @p1 $0x8200  }
0x7e: {  	[hbm4b:s7+s30] =	stream.linear.scatter @p1 [tilespmem:s29], [sflag:$0xB], $0x4000, $0x38;
	[tilespmem:$0x10200] =	vst v63  }
0x7f: {  	s2 =	sadd.s32 $0x40, s2;
	_ =	swait.ge @p1 [sflag:s9], $0x80  }
0x80: {  	p0 =	sne.s32 s2, $0xCD0;
	[sflag:s9] =	ssyncset.done @p1 $0x0  }
0x81: {  	s26 =	sand.u32 @p1 $0x50, s26;
	s14 =	simm.s32 @p1 $0x9;
	[sflag:s9] =	ssyncadd.s32 @p1 $0xFFFFFF80  }
0x82: {  	s28 =	sand.u32 @p1 $0xFFFFF80, s28;
	s26 =	sadd.s32 @p1 s1, s26;
	_ =	swait.ge @p1 [sflag:s14], $0x4000  }
0x83: {  	s26 =	sadd.s32 @p1 s28, s26;
	s28 =	simm.s32 @p1 $0x200;
	[sflag:s14] =	ssyncset.done @p1 $0x0  }
0x84: {  	s29 =	simm.s32 @p1 $0x8;
	s9 =	simm.s32 @p1 $0x80;
	[sflag:s14] =	ssyncadd.s32 @p1 $0xFFFFC000  }
0x85: {  	[tilespmem:s28], [sflag:$0x5] =	stream.indirect.gather @p1 [hbm4b:s3+s9], $0x80, s30, s9, $0xb8;
	[tilespmem:$0x10200] =	vst v63  }
0x86: {  	s11 =	smov.u32 s6;
	s6 =	sadd.s32 $0x2000, s6;
	_ =	swait.ge @p1 [sflag:s29], $0x4000  }
.Ltmp0:
0x87: {  	s12 =	simm.s32 @!p1 $0x8200;
	[sflag:s29] =	ssyncset.done @p1 $0x0;
	(pc) =	sbr.rel @p0 .LBB2_2-.Ltmp0, $4  }
0x88: {  	s0 =	sadd.s32 $0x2000, s0;
	s7 =	sadd.s32 $0x2000, s7;
	[sflag:s29] =	ssyncadd.s32 @p1 $0xFFFFC000  }
0x89: {  	[tilespmem:s9], [sflag:$0x2] =	stream.linear.gather @p1 [hbm4b:s26+s30], $0x80, $0x38;
	[tilespmem:$0x10200] =	vst v63  }
0x8a: {  	s14 =	simm.s32 @!p1 $0x0;
	s28 =	simm.s32 @!p1 $0x8;
	s5 =	rddreg [dreg:$0x4]  }
0x8b: {  	[hbm4b:s5+s14] =	stream.linear.scatter @!p1 [tilespmem:s12], [sflag:$0xB], $0x4000, $0x38;
	[tilespmem:$0x10200] =	vst v63  }
0x8c: {  	_ =	swait.ge @!p1 [sflag:s28], $0x4000  }
0x8d: {  	[sflag:s28] =	ssyncset.done @!p1 $0x0  }
0x8e: {  	s0 =	simm.s32 $0x9;
	[sflag:s28] =	ssyncadd.s32 @!p1 $0xFFFFC000  }
0x8f: {  	[hbm4b:s11+s4] =	stream.linear.scatter [tilespmem:s24], [sflag:$0xC], $0x4000, $0x38;
	[tilespmem:$0x10200] =	vst v63  }
0x90: {  	_ =	swait.ge [sflag:s0], $0x4000  }
0x91: {  	[sflag:s0] =	ssyncset.done $0x0  }
0x92: {  	s28 =	simm.s32 $0xA;
	[sflag:s0] =	ssyncadd.s32 $0xFFFFC000  }
0x93: {  	_ =	swait.ge [sflag:s28], $0x4000  }
0x94: {  	[sflag:s28] =	ssyncset.done $0x0  }
0x95: {  	s29 =	simm.s32 $0xB;
	[sflag:s28] =	ssyncadd.s32 $0xFFFFC000  }
0x96: {  	_ =	swait.ge [sflag:s29], $0x4000  }
0x97: {  	[sflag:s29] =	ssyncset.done $0x0  }
0x98: {  	s2 =	simm.s32 $0xC;
	[sflag:s29] =	ssyncadd.s32 $0xFFFFC000  }
0x99: {  	_ =	swait.ge [sflag:s2], $0x4000  }
0x9a: {  	s31 =	sadd.s32 $0x1, s31;
	s30 =	rddreg [dreg:$0x8]  }
0x9b: {  	p0 =	sne.s32 s31, s30  }
.Ltmp1:
0x9c: {  	_ = 	snop;
	(pc) =	sbr.rel @p0 .LBB2_1-.Ltmp1, $3  }
0x9d: {  	_ =	sdelay $0x1  }
0x9e: {  	[sflag:s2] =	ssyncset.done $0x0  }
0x9f: {  	[sflag:s2] =	ssyncadd.s32 $0xFFFFC000  }
0xa0: {  	_ =	sfence.sel $0x180000  }
0xa1: {  	[bflag:$0x0] =	sbarrier.arrive $0xFFFF  }
0xa2: {  	_ =	strace $0x90000047  }
0xa3: {  	s0 =	stileid.u32;
	[bflag:$0x2] =	sbarrier.arrive $0xFFFF  }
0xa4: {  	p0 =	sne.s32 s0, $0x0;
	s0 =	rddreg [dreg:$0x3]  }
0xa5: {  	s0 =	sadd.s32 @!p0 $0x100000, s0  }
0xa6: {  	[sflag:s0] =	ssyncadd.tile.s32 @!p0 $0x1;
	_ =	shalt  }
.Lfunc_end2:
_tile_overlayer_lowered:
.L_overlay_start_2:
0xa7: {  	(tag) =	ssettag $0x2  }
0xa8: {  	s0 =	rddreg [dreg:$0x0];
	s2 =	stileid.u32  }
0xa9: {  	s1 =	rddreg [dreg:$0x1];
	p0 =	sne.s32 s2, $0x0  }
0xaa: {  	s3 =	rddreg [dreg:$0x2];
	[bflag:$0x3] =	sbarrier.arrive $0xFFFF;
	s2 =	simm.s32 @!p0 $0x1C0D  }
0xab: {  	[timem:s3], [sflag:s2] =	dma.local @!p0 [hbm:s0], s1  }
0xac: {  	s0 =	simm.s32 @!p0 $0xD  }
0xad: {  	_ =	swait.ge @!p0 [sflag:s0], s1  }
0xae: {  	s1 =	ssub.s32 @!p0 $0x0, s1;
	[sflag:s0] =	ssyncset.done @!p0 $0x0  }
0xaf: {  	[sflag:s0] =	ssyncadd.s32 @!p0 s1  }
0xb0: {  	[bflag:$0x3] =	sbarrier.arrive $0xFFFF  }
0xb1: {  	_ =	shalt  }

</sc_bundles>
